<compile_context>
chip_gen: v7x
topology: tpu7x:2x2x1
jax: 0.10.2.dev20260603
libtpu: 0.0.44.dev20260713+nightly
codegen_flags: <defaults>
</compile_context>

<pallas_src>
import functools

import jax
import jax.numpy as jnp
from jax import lax
from jax.experimental import pallas as pl
from jax.experimental.pallas import tpu as pltpu
from jax.experimental.pallas import tpu_sc as plsc

B, S, D, E = 4, 8192, 768, 8
N = B * S
T = 2048
CHUNKS = 16
NC = N // CHUNKS

NEG_INF = float("-inf")


def _route_tc(h, e_iota):
    m1 = jnp.max(h, axis=1, keepdims=True)
    i1 = jnp.min(jnp.where(h == m1, e_iota, E), axis=1, keepdims=True)
    h2 = jnp.where(e_iota == i1, NEG_INF, h)
    m2 = jnp.max(h2, axis=1, keepdims=True)
    i2 = jnp.min(jnp.where(h2 == m2, e_iota, E), axis=1, keepdims=True)
    w2 = jnp.exp(m2 - m1)
    recip = 1.0 / (1.0 + w2)
    return jnp.where(e_iota == i1, recip,
                     jnp.where(e_iota == i2, w2 * recip, 0.0))


def _logits_tile(x_ref, wg_ref, wn_ref, bg_ref, bn_ref, eps_ref):
    x = x_ref[...]
    gate = lax.dot_general(
        x, wg_ref[...], (((1,), (0,)), ((), ())),
        preferred_element_type=jnp.float32) + bg_ref[...]
    noise = lax.dot_general(
        x, wn_ref[...], (((1,), (0,)), ((), ())),
        preferred_element_type=jnp.float32) + bn_ref[...]
    return gate + eps_ref[...] * jax.nn.softplus(noise)


def _logits_body(x_ref, wg_ref, wn_ref, bg_ref, bn_ref, eps_ref, out_ref):
    out_ref[...] = _logits_tile(x_ref, wg_ref, wn_ref, bg_ref, bn_ref,
                                eps_ref)


def _fused_body(x_ref, wg_ref, wn_ref, bg_ref, bn_ref, eps_ref, out_ref):
    h = _logits_tile(x_ref, wg_ref, wn_ref, bg_ref, bn_ref, eps_ref)
    e_iota = lax.broadcasted_iota(jnp.int32, h.shape, 1)
    out_ref[...] = _route_tc(h, e_iota)


def _tc_call(body, x2, wg_t, wn_t, bg2, bn2, eps2, tile, row0, rows):
    ib = row0 // tile
    return pl.pallas_call(
        body,
        grid=(rows // tile,),
        in_specs=[
            pl.BlockSpec((tile, D), lambda i: (ib + i, 0)),
            pl.BlockSpec((D, E), lambda i: (0, 0)),
            pl.BlockSpec((D, E), lambda i: (0, 0)),
            pl.BlockSpec((1, E), lambda i: (0, 0)),
            pl.BlockSpec((1, E), lambda i: (0, 0)),
            pl.BlockSpec((tile, E), lambda i: (ib + i, 0)),
        ],
        out_specs=pl.BlockSpec((tile, E), lambda i: (i, 0)),
        out_shape=jax.ShapeDtypeStruct((rows, E), jnp.float32),
        compiler_params=pltpu.CompilerParams(
            dimension_semantics=("arbitrary",)),
    )(x2, wg_t, wn_t, bg2, bn2, eps2)



_INFO = plsc.get_sparse_core_info()
_NW = _INFO.num_subcores
_L = _INFO.num_lanes
_TOK = NC // _NW
_GROUPS = _TOK // _L


def _route_body(h_hbm, out_hbm, h_v, out_v):
    wid = lax.axis_index("s")
    tok0 = wid * _TOK
    pltpu.sync_copy(h_hbm.at[pl.ds(tok0, _TOK), :], h_v)
    lane = lax.iota(jnp.int32, _L)
    cols = [jnp.full((_L,), e, jnp.int32) for e in range(E)]

    def group(g, carry):
        rows = lane + g * _L
        v = [plsc.load_gather(h_v, [rows, cols[e]]) for e in range(E)]
        best = v[0]
        besti = jnp.zeros((_L,), jnp.int32)
        for e in range(1, E):
            gt = v[e] > best
            best = jnp.where(gt, v[e], best)
            besti = jnp.where(gt, e, besti)
        second = jnp.full((_L,), NEG_INF, jnp.float32)
        secondi = jnp.full((_L,), E, jnp.int32)
        for e in range(E):
            gt = jnp.logical_and(v[e] > second, besti != e)
            second = jnp.where(gt, v[e], second)
            secondi = jnp.where(gt, e, secondi)
        w2 = jnp.exp(second - best)
        w1n = 1.0 / (1.0 + w2)
        w2n = w2 * w1n
        zero = jnp.zeros((_L,), jnp.float32)
        for e in range(E):
            out_e = jnp.where(besti == e, w1n,
                              jnp.where(secondi == e, w2n, zero))
            plsc.store_scatter(out_v, [rows, cols[e]], out_e)
        return carry

    lax.fori_loop(0, _GROUPS, group, 0)
    pltpu.sync_copy(out_v, out_hbm.at[pl.ds(tok0, _TOK), :])


_route_sc = functools.partial(
    pl.kernel,
    out_type=jax.ShapeDtypeStruct((NC, E), jnp.float32),
    mesh=plsc.VectorSubcoreMesh(core_axis_name="c", subcore_axis_name="s",
                                num_cores=1),
    scratch_types=[
        pltpu.VMEM((_TOK, E), jnp.float32),
        pltpu.VMEM((_TOK, E), jnp.float32),
    ],
    compiler_params=pltpu.CompilerParams(needs_layout_passes=False),
)(_route_body)


@jax.jit
def _gating(x2, wg_t, wn_t, bg2, bn2, eps2):
    h0 = _tc_call(_logits_body, x2, wg_t, wn_t, bg2, bn2, eps2,
                  tile=512, row0=0, rows=NC)
    g0 = _route_sc(h0)
    g_rest = _tc_call(_fused_body, x2, wg_t, wn_t, bg2, bn2, eps2,
                      tile=T, row0=NC, rows=N - NC)
    return jnp.concatenate([g0, g_rest], axis=0)


def kernel(x, Wg, bg, Wnoise, bnoise, eps):
    g = _gating(x.reshape(N, D), Wg.T, Wnoise.T, bg.reshape(1, E),
                bnoise.reshape(1, E), eps.reshape(N, E))
    return g.reshape(B, S, E)

# --- scband reference (transcript-rebuilt; emitter-appended) ---
"""Pipeline reference for scband-noisy-top-kgating-13245679141623 (READ-ONLY COPY).

The authoritative reference and input builder live on the scoring server;
editing this copy changes nothing except your own understanding.
"""

import jax, jax.numpy as jnp
import numpy as np

B, S, D, E, K = 4, 8192, 768, 8, 2

def setup_inputs(seed: int = 0):
    key = jax.random.key(seed)
    k1, k2, k3, k4 = jax.random.split(key, 4)
    x = jax.random.normal(k1, (B, S, D), dtype=jnp.float32)
    Wg = jax.random.normal(k2, (E, D), dtype=jnp.float32) * (1.0 / np.sqrt(D))
    bg = jnp.zeros((E,), dtype=jnp.float32)
    Wnoise = jax.random.normal(k3, (E, D), dtype=jnp.float32) * (1.0 / np.sqrt(D))
    bnoise = jnp.zeros((E,), dtype=jnp.float32)
    # eps plays the role of torch.randn_like(noise): a fixed standard-normal draw
    eps = jax.random.normal(k4, (B, S, E), dtype=jnp.float32)
    return {"x": x, "Wg": Wg, "bg": bg, "Wnoise": Wnoise, "bnoise": bnoise, "eps": eps}

def reference(x, Wg, bg, Wnoise, bnoise, eps):
    gate = jnp.einsum('bsd,ed->bse', x, Wg) + bg
    noise = jnp.einsum('bsd,ed->bse', x, Wnoise) + bnoise
    h = gate + eps * jax.nn.softplus(noise)
    topk_vals, topk_idxs = jax.lax.top_k(h, K)
    b_idx = jnp.arange(h.shape[0])[:, None, None]
    s_idx = jnp.arange(h.shape[1])[None, :, None]
    g = jnp.full_like(h, -jnp.inf)
    g = g.at[b_idx, s_idx, topk_idxs].set(topk_vals)
    g = jax.nn.softmax(g, axis=-1)
    return g

if __name__ == "__main__":
    import jax
    _d = setup_inputs()
    print(jax.jit(kernel)(*tuple(_d.values())))

</pallas_src>

<mosaic_0001>
#map = affine_map<(d0, d1) -> (0, 0)>
module attributes {stable_mosaic.version = 14 : i64} {
  func.func @_route_body(%arg0: i32, %arg1: i32, %arg2: memref<2048x8xf32, #tpu.memory_space<hbm>>, %arg3: memref<2048x8xf32, #tpu.memory_space<hbm>>, %arg4: memref<128x8xf32, #tpu.memory_space<vmem>>, %arg5: memref<128x8xf32, #tpu.memory_space<vmem>>) attributes {dimension_semantics = [#tpu.dimension_semantics<core_parallel>, #tpu.dimension_semantics<subcore_parallel>], iteration_bounds = array<i64: 1, 16>, scalar_prefetch = 0 : i64, scratch_operands = 2 : i64, tpu.core_type = #tpu.core_type<sc_vector_subcore>, window_params = [{transform_indices = #map}, {transform_indices = #map}]} {
    %mul3A = arith.constant 128 : i32
    %mul3A_0 = arith.muli %arg1, %mul3A : i32
    "tpu.region"() ({
      %run_scoped3A = tpu.sem_alloc : memref<!tpu.dma_semaphore, #tpu.memory_space<semaphore_mem>>
      %dma_start3A = arith.constant 0 : i32
      %dma_start3A_21 = tpu.memref_slice %arg2[%mul3A_0, %dma_start3A] : memref<2048x8xf32, #tpu.memory_space<hbm>> -> memref<128x8xf32, #tpu.memory_space<hbm>>
      %dma_start3A_22 = arith.constant 0 : i32
      %dma_start3A_23 = tpu.memref_slice %arg2[%mul3A_0, %dma_start3A_22] : memref<2048x8xf32, #tpu.memory_space<hbm>> -> memref<128x8xf32, #tpu.memory_space<hbm>>
      tpu.enqueue_dma source(%dma_start3A_23 : memref<128x8xf32, #tpu.memory_space<hbm>>) target(%arg4 : memref<128x8xf32, #tpu.memory_space<vmem>>) target_semaphore(%run_scoped3A : memref<!tpu.dma_semaphore, #tpu.memory_space<semaphore_mem>>)
      %dma_wait3A = arith.constant 0 : i32
      %dma_wait3A_24 = tpu.memref_slice %arg2[%mul3A_0, %dma_wait3A] : memref<2048x8xf32, #tpu.memory_space<hbm>> -> memref<128x8xf32, #tpu.memory_space<hbm>>
      %dma_wait3A_25 = arith.constant 0 : i32
      %dma_wait3A_26 = tpu.memref_slice %arg2[%mul3A_0, %dma_wait3A_25] : memref<2048x8xf32, #tpu.memory_space<hbm>> -> memref<128x8xf32, #tpu.memory_space<hbm>>
      tpu.wait_dma2 semaphore(%run_scoped3A : memref<!tpu.dma_semaphore, #tpu.memory_space<semaphore_mem>>) src(%dma_wait3A_26 : memref<128x8xf32, #tpu.memory_space<hbm>>) dst(%arg4 : memref<128x8xf32, #tpu.memory_space<vmem>>)
      tpu.yield
    }) : () -> ()
    %iota3A = tpu.iota {dimensions = array<i32: 0>} : vector<16xi32>
    %broadcast_in_dim3A = arith.constant 0 : i32
    %broadcast_in_dim3A_1 = vector.broadcast %broadcast_in_dim3A : i32 to vector<16xi32>
    %broadcast_in_dim3A_2 = arith.constant 1 : i32
    %broadcast_in_dim3A_3 = vector.broadcast %broadcast_in_dim3A_2 : i32 to vector<16xi32>
    %broadcast_in_dim3A_4 = arith.constant 2 : i32
    %broadcast_in_dim3A_5 = vector.broadcast %broadcast_in_dim3A_4 : i32 to vector<16xi32>
    %broadcast_in_dim3A_6 = arith.constant 3 : i32
    %broadcast_in_dim3A_7 = vector.broadcast %broadcast_in_dim3A_6 : i32 to vector<16xi32>
    %broadcast_in_dim3A_8 = arith.constant 4 : i32
    %broadcast_in_dim3A_9 = vector.broadcast %broadcast_in_dim3A_8 : i32 to vector<16xi32>
    %broadcast_in_dim3A_10 = arith.constant 5 : i32
    %broadcast_in_dim3A_11 = vector.broadcast %broadcast_in_dim3A_10 : i32 to vector<16xi32>
    %broadcast_in_dim3A_12 = arith.constant 6 : i32
    %broadcast_in_dim3A_13 = vector.broadcast %broadcast_in_dim3A_12 : i32 to vector<16xi32>
    %broadcast_in_dim3A_14 = arith.constant 7 : i32
    %broadcast_in_dim3A_15 = vector.broadcast %broadcast_in_dim3A_14 : i32 to vector<16xi32>
    %scan3A = arith.constant 0 : i32
    %scan3A_16 = arith.constant 0 : i32
    %scan3A_17 = arith.constant 8 : i32
    %scan3A_18 = arith.addi %scan3A_16, %scan3A_17 : i32
    %scan3A_19 = arith.constant 1 : i32
    scf.for %scan3A_21 = %scan3A_16 to %scan3A_18 step %scan3A_19  : i32 {
      %mul3A_22 = arith.constant 16 : i32
      %mul3A_23 = arith.muli %scan3A_21, %mul3A_22 : i32
      %add3A = vector.broadcast %mul3A_23 : i32 to vector<16xi32>
      %add3A_24 = arith.addi %iota3A, %add3A : vector<16xi32>
      %gather3A = tpu.vector_load_idx %arg4[%add3A_24, %broadcast_in_dim3A_1] : memref<128x8xf32, #tpu.memory_space<vmem>>[vector<16xi32>, vector<16xi32>], vector<16xf32>,
      %gather3A_25 = tpu.vector_load_idx %arg4[%add3A_24, %broadcast_in_dim3A_3] : memref<128x8xf32, #tpu.memory_space<vmem>>[vector<16xi32>, vector<16xi32>], vector<16xf32>,
      %gather3A_26 = tpu.vector_load_idx %arg4[%add3A_24, %broadcast_in_dim3A_5] : memref<128x8xf32, #tpu.memory_space<vmem>>[vector<16xi32>, vector<16xi32>], vector<16xf32>,
      %gather3A_27 = tpu.vector_load_idx %arg4[%add3A_24, %broadcast_in_dim3A_7] : memref<128x8xf32, #tpu.memory_space<vmem>>[vector<16xi32>, vector<16xi32>], vector<16xf32>,
      %gather3A_28 = tpu.vector_load_idx %arg4[%add3A_24, %broadcast_in_dim3A_9] : memref<128x8xf32, #tpu.memory_space<vmem>>[vector<16xi32>, vector<16xi32>], vector<16xf32>,
      %gather3A_29 = tpu.vector_load_idx %arg4[%add3A_24, %broadcast_in_dim3A_11] : memref<128x8xf32, #tpu.memory_space<vmem>>[vector<16xi32>, vector<16xi32>], vector<16xf32>,
      %gather3A_30 = tpu.vector_load_idx %arg4[%add3A_24, %broadcast_in_dim3A_13] : memref<128x8xf32, #tpu.memory_space<vmem>>[vector<16xi32>, vector<16xi32>], vector<16xf32>,
      %gather3A_31 = tpu.vector_load_idx %arg4[%add3A_24, %broadcast_in_dim3A_15] : memref<128x8xf32, #tpu.memory_space<vmem>>[vector<16xi32>, vector<16xi32>], vector<16xf32>,
      %broadcast_in_dim3A_32 = arith.constant 0 : i32
      %broadcast_in_dim3A_33 = vector.broadcast %broadcast_in_dim3A_32 : i32 to vector<16xi32>
      %gt3A = arith.cmpf ogt, %gather3A_25, %gather3A : vector<16xf32>
      %select_n3A = arith.select %gt3A, %gather3A_25, %gather3A : vector<16xi1>, vector<16xf32>
      %jit3A = arith.constant 1 : i32
      %broadcast_in_dim3A_34 = vector.broadcast %jit3A : i32 to vector<16xi32>
      %select_n3A_35 = arith.select %gt3A, %broadcast_in_dim3A_34, %broadcast_in_dim3A_33 : vector<16xi1>, vector<16xi32>
      %gt3A_36 = arith.cmpf ogt, %gather3A_26, %select_n3A : vector<16xf32>
      %select_n3A_37 = arith.select %gt3A_36, %gather3A_26, %select_n3A : vector<16xi1>, vector<16xf32>
      %jit3A_38 = arith.constant 2 : i32
      %broadcast_in_dim3A_39 = vector.broadcast %jit3A_38 : i32 to vector<16xi32>
      %select_n3A_40 = arith.select %gt3A_36, %broadcast_in_dim3A_39, %select_n3A_35 : vector<16xi1>, vector<16xi32>
      %gt3A_41 = arith.cmpf ogt, %gather3A_27, %select_n3A_37 : vector<16xf32>
      %select_n3A_42 = arith.select %gt3A_41, %gather3A_27, %select_n3A_37 : vector<16xi1>, vector<16xf32>
      %jit3A_43 = arith.constant 3 : i32
      %broadcast_in_dim3A_44 = vector.broadcast %jit3A_43 : i32 to vector<16xi32>
      %select_n3A_45 = arith.select %gt3A_41, %broadcast_in_dim3A_44, %select_n3A_40 : vector<16xi1>, vector<16xi32>
      %gt3A_46 = arith.cmpf ogt, %gather3A_28, %select_n3A_42 : vector<16xf32>
      %select_n3A_47 = arith.select %gt3A_46, %gather3A_28, %select_n3A_42 : vector<16xi1>, vector<16xf32>
      %jit3A_48 = arith.constant 4 : i32
      %broadcast_in_dim3A_49 = vector.broadcast %jit3A_48 : i32 to vector<16xi32>
      %select_n3A_50 = arith.select %gt3A_46, %broadcast_in_dim3A_49, %select_n3A_45 : vector<16xi1>, vector<16xi32>
      %gt3A_51 = arith.cmpf ogt, %gather3A_29, %select_n3A_47 : vector<16xf32>
      %select_n3A_52 = arith.select %gt3A_51, %gather3A_29, %select_n3A_47 : vector<16xi1>, vector<16xf32>
      %jit3A_53 = arith.constant 5 : i32
      %broadcast_in_dim3A_54 = vector.broadcast %jit3A_53 : i32 to vector<16xi32>
      %select_n3A_55 = arith.select %gt3A_51, %broadcast_in_dim3A_54, %select_n3A_50 : vector<16xi1>, vector<16xi32>
      %gt3A_56 = arith.cmpf ogt, %gather3A_30, %select_n3A_52 : vector<16xf32>
      %select_n3A_57 = arith.select %gt3A_56, %gather3A_30, %select_n3A_52 : vector<16xi1>, vector<16xf32>
      %jit3A_58 = arith.constant 6 : i32
      %broadcast_in_dim3A_59 = vector.broadcast %jit3A_58 : i32 to vector<16xi32>
      %select_n3A_60 = arith.select %gt3A_56, %broadcast_in_dim3A_59, %select_n3A_55 : vector<16xi1>, vector<16xi32>
      %gt3A_61 = arith.cmpf ogt, %gather3A_31, %select_n3A_57 : vector<16xf32>
      %select_n3A_62 = arith.select %gt3A_61, %gather3A_31, %select_n3A_57 : vector<16xi1>, vector<16xf32>
      %jit3A_63 = arith.constant 7 : i32
      %broadcast_in_dim3A_64 = vector.broadcast %jit3A_63 : i32 to vector<16xi32>
      %select_n3A_65 = arith.select %gt3A_61, %broadcast_in_dim3A_64, %select_n3A_60 : vector<16xi1>, vector<16xi32>
      %broadcast_in_dim3A_66 = arith.constant 0xFF800000 : f32
      %broadcast_in_dim3A_67 = vector.broadcast %broadcast_in_dim3A_66 : f32 to vector<16xf32>
      %broadcast_in_dim3A_68 = arith.constant 8 : i32
      %broadcast_in_dim3A_69 = vector.broadcast %broadcast_in_dim3A_68 : i32 to vector<16xi32>
      %gt3A_70 = arith.cmpf ogt, %gather3A, %broadcast_in_dim3A_67 : vector<16xf32>
      %ne3A = arith.constant 0 : i32
      %ne3A_71 = vector.broadcast %ne3A : i32 to vector<16xi32>
      %ne3A_72 = arith.cmpi ne, %select_n3A_65, %ne3A_71 : vector<16xi32>
      %and3A = arith.andi %gt3A_70, %ne3A_72 : vector<16xi1>
      %select_n3A_73 = arith.select %and3A, %gather3A, %broadcast_in_dim3A_67 : vector<16xi1>, vector<16xf32>
      %jit3A_74 = arith.constant 0 : i32
      %broadcast_in_dim3A_75 = vector.broadcast %jit3A_74 : i32 to vector<16xi32>
      %select_n3A_76 = arith.select %and3A, %broadcast_in_dim3A_75, %broadcast_in_dim3A_69 : vector<16xi1>, vector<16xi32>
      %gt3A_77 = arith.cmpf ogt, %gather3A_25, %select_n3A_73 : vector<16xf32>
      %ne3A_78 = arith.constant 1 : i32
      %ne3A_79 = vector.broadcast %ne3A_78 : i32 to vector<16xi32>
      %ne3A_80 = arith.cmpi ne, %select_n3A_65, %ne3A_79 : vector<16xi32>
      %and3A_81 = arith.andi %gt3A_77, %ne3A_80 : vector<16xi1>
      %select_n3A_82 = arith.select %and3A_81, %gather3A_25, %select_n3A_73 : vector<16xi1>, vector<16xf32>
      %jit3A_83 = arith.constant 1 : i32
      %broadcast_in_dim3A_84 = vector.broadcast %jit3A_83 : i32 to vector<16xi32>
      %select_n3A_85 = arith.select %and3A_81, %broadcast_in_dim3A_84, %select_n3A_76 : vector<16xi1>, vector<16xi32>
      %gt3A_86 = arith.cmpf ogt, %gather3A_26, %select_n3A_82 : vector<16xf32>
      %ne3A_87 = arith.constant 2 : i32
      %ne3A_88 = vector.broadcast %ne3A_87 : i32 to vector<16xi32>
      %ne3A_89 = arith.cmpi ne, %select_n3A_65, %ne3A_88 : vector<16xi32>
      %and3A_90 = arith.andi %gt3A_86, %ne3A_89 : vector<16xi1>
      %select_n3A_91 = arith.select %and3A_90, %gather3A_26, %select_n3A_82 : vector<16xi1>, vector<16xf32>
      %jit3A_92 = arith.constant 2 : i32
      %broadcast_in_dim3A_93 = vector.broadcast %jit3A_92 : i32 to vector<16xi32>
      %select_n3A_94 = arith.select %and3A_90, %broadcast_in_dim3A_93, %select_n3A_85 : vector<16xi1>, vector<16xi32>
      %gt3A_95 = arith.cmpf ogt, %gather3A_27, %select_n3A_91 : vector<16xf32>
      %ne3A_96 = arith.constant 3 : i32
      %ne3A_97 = vector.broadcast %ne3A_96 : i32 to vector<16xi32>
      %ne3A_98 = arith.cmpi ne, %select_n3A_65, %ne3A_97 : vector<16xi32>
      %and3A_99 = arith.andi %gt3A_95, %ne3A_98 : vector<16xi1>
      %select_n3A_100 = arith.select %and3A_99, %gather3A_27, %select_n3A_91 : vector<16xi1>, vector<16xf32>
      %jit3A_101 = arith.constant 3 : i32
      %broadcast_in_dim3A_102 = vector.broadcast %jit3A_101 : i32 to vector<16xi32>
      %select_n3A_103 = arith.select %and3A_99, %broadcast_in_dim3A_102, %select_n3A_94 : vector<16xi1>, vector<16xi32>
      %gt3A_104 = arith.cmpf ogt, %gather3A_28, %select_n3A_100 : vector<16xf32>
      %ne3A_105 = arith.constant 4 : i32
      %ne3A_106 = vector.broadcast %ne3A_105 : i32 to vector<16xi32>
      %ne3A_107 = arith.cmpi ne, %select_n3A_65, %ne3A_106 : vector<16xi32>
      %and3A_108 = arith.andi %gt3A_104, %ne3A_107 : vector<16xi1>
      %select_n3A_109 = arith.select %and3A_108, %gather3A_28, %select_n3A_100 : vector<16xi1>, vector<16xf32>
      %jit3A_110 = arith.constant 4 : i32
      %broadcast_in_dim3A_111 = vector.broadcast %jit3A_110 : i32 to vector<16xi32>
      %select_n3A_112 = arith.select %and3A_108, %broadcast_in_dim3A_111, %select_n3A_103 : vector<16xi1>, vector<16xi32>
      %gt3A_113 = arith.cmpf ogt, %gather3A_29, %select_n3A_109 : vector<16xf32>
      %ne3A_114 = arith.constant 5 : i32
      %ne3A_115 = vector.broadcast %ne3A_114 : i32 to vector<16xi32>
      %ne3A_116 = arith.cmpi ne, %select_n3A_65, %ne3A_115 : vector<16xi32>
      %and3A_117 = arith.andi %gt3A_113, %ne3A_116 : vector<16xi1>
      %select_n3A_118 = arith.select %and3A_117, %gather3A_29, %select_n3A_109 : vector<16xi1>, vector<16xf32>
      %jit3A_119 = arith.constant 5 : i32
      %broadcast_in_dim3A_120 = vector.broadcast %jit3A_119 : i32 to vector<16xi32>
      %select_n3A_121 = arith.select %and3A_117, %broadcast_in_dim3A_120, %select_n3A_112 : vector<16xi1>, vector<16xi32>
      %gt3A_122 = arith.cmpf ogt, %gather3A_30, %select_n3A_118 : vector<16xf32>
      %ne3A_123 = arith.constant 6 : i32
      %ne3A_124 = vector.broadcast %ne3A_123 : i32 to vector<16xi32>
      %ne3A_125 = arith.cmpi ne, %select_n3A_65, %ne3A_124 : vector<16xi32>
      %and3A_126 = arith.andi %gt3A_122, %ne3A_125 : vector<16xi1>
      %select_n3A_127 = arith.select %and3A_126, %gather3A_30, %select_n3A_118 : vector<16xi1>, vector<16xf32>
      %jit3A_128 = arith.constant 6 : i32
      %broadcast_in_dim3A_129 = vector.broadcast %jit3A_128 : i32 to vector<16xi32>
      %select_n3A_130 = arith.select %and3A_126, %broadcast_in_dim3A_129, %select_n3A_121 : vector<16xi1>, vector<16xi32>
      %gt3A_131 = arith.cmpf ogt, %gather3A_31, %select_n3A_127 : vector<16xf32>
      %ne3A_132 = arith.constant 7 : i32
      %ne3A_133 = vector.broadcast %ne3A_132 : i32 to vector<16xi32>
      %ne3A_134 = arith.cmpi ne, %select_n3A_65, %ne3A_133 : vector<16xi32>
      %and3A_135 = arith.andi %gt3A_131, %ne3A_134 : vector<16xi1>
      %select_n3A_136 = arith.select %and3A_135, %gather3A_31, %select_n3A_127 : vector<16xi1>, vector<16xf32>
      %jit3A_137 = arith.constant 7 : i32
      %broadcast_in_dim3A_138 = vector.broadcast %jit3A_137 : i32 to vector<16xi32>
      %select_n3A_139 = arith.select %and3A_135, %broadcast_in_dim3A_138, %select_n3A_130 : vector<16xi1>, vector<16xi32>
      %sub3A = arith.subf %select_n3A_136, %select_n3A_62 : vector<16xf32>
      %exp3A = math.exp %sub3A : vector<16xf32>
      %add3A_140 = arith.constant 1.000000e+00 : f32
      %add3A_141 = vector.broadcast %add3A_140 : f32 to vector<16xf32>
      %add3A_142 = arith.addf %add3A_141, %exp3A : vector<16xf32>
      %div3A = arith.constant 1.000000e+00 : f32
      %div3A_143 = vector.broadcast %div3A : f32 to vector<16xf32>
      %div3A_144 = arith.divf %div3A_143, %add3A_142 : vector<16xf32>
      %mul3A_145 = arith.mulf %exp3A, %div3A_144 : vector<16xf32>
      %broadcast_in_dim3A_146 = arith.constant 0.000000e+00 : f32
      %broadcast_in_dim3A_147 = vector.broadcast %broadcast_in_dim3A_146 : f32 to vector<16xf32>
      %eq3A = arith.constant 0 : i32
      %eq3A_148 = vector.broadcast %eq3A : i32 to vector<16xi32>
      %eq3A_149 = arith.cmpi eq, %select_n3A_65, %eq3A_148 : vector<16xi32>
      %eq3A_150 = arith.constant 0 : i32
      %eq3A_151 = vector.broadcast %eq3A_150 : i32 to vector<16xi32>
      %eq3A_152 = arith.cmpi eq, %select_n3A_139, %eq3A_151 : vector<16xi32>
      %select_n3A_153 = arith.select %eq3A_152, %mul3A_145, %broadcast_in_dim3A_147 : vector<16xi1>, vector<16xf32>
      %select_n3A_154 = arith.select %eq3A_149, %div3A_144, %select_n3A_153 : vector<16xi1>, vector<16xf32>
      tpu.vector_store_idx %arg5[%add3A_24, %broadcast_in_dim3A_1], %select_n3A_154 : memref<128x8xf32, #tpu.memory_space<vmem>>[vector<16xi32>, vector<16xi32>], vector<16xf32>,
      %eq3A_155 = arith.constant 1 : i32
      %eq3A_156 = vector.broadcast %eq3A_155 : i32 to vector<16xi32>
      %eq3A_157 = arith.cmpi eq, %select_n3A_65, %eq3A_156 : vector<16xi32>
      %eq3A_158 = arith.constant 1 : i32
      %eq3A_159 = vector.broadcast %eq3A_158 : i32 to vector<16xi32>
      %eq3A_160 = arith.cmpi eq, %select_n3A_139, %eq3A_159 : vector<16xi32>
      %select_n3A_161 = arith.select %eq3A_160, %mul3A_145, %broadcast_in_dim3A_147 : vector<16xi1>, vector<16xf32>
      %select_n3A_162 = arith.select %eq3A_157, %div3A_144, %select_n3A_161 : vector<16xi1>, vector<16xf32>
      tpu.vector_store_idx %arg5[%add3A_24, %broadcast_in_dim3A_3], %select_n3A_162 : memref<128x8xf32, #tpu.memory_space<vmem>>[vector<16xi32>, vector<16xi32>], vector<16xf32>,
      %eq3A_163 = arith.constant 2 : i32
      %eq3A_164 = vector.broadcast %eq3A_163 : i32 to vector<16xi32>
      %eq3A_165 = arith.cmpi eq, %select_n3A_65, %eq3A_164 : vector<16xi32>
      %eq3A_166 = arith.constant 2 : i32
      %eq3A_167 = vector.broadcast %eq3A_166 : i32 to vector<16xi32>
      %eq3A_168 = arith.cmpi eq, %select_n3A_139, %eq3A_167 : vector<16xi32>
      %select_n3A_169 = arith.select %eq3A_168, %mul3A_145, %broadcast_in_dim3A_147 : vector<16xi1>, vector<16xf32>
      %select_n3A_170 = arith.select %eq3A_165, %div3A_144, %select_n3A_169 : vector<16xi1>, vector<16xf32>
      tpu.vector_store_idx %arg5[%add3A_24, %broadcast_in_dim3A_5], %select_n3A_170 : memref<128x8xf32, #tpu.memory_space<vmem>>[vector<16xi32>, vector<16xi32>], vector<16xf32>,
      %eq3A_171 = arith.constant 3 : i32
      %eq3A_172 = vector.broadcast %eq3A_171 : i32 to vector<16xi32>
      %eq3A_173 = arith.cmpi eq, %select_n3A_65, %eq3A_172 : vector<16xi32>
      %eq3A_174 = arith.constant 3 : i32
      %eq3A_175 = vector.broadcast %eq3A_174 : i32 to vector<16xi32>
      %eq3A_176 = arith.cmpi eq, %select_n3A_139, %eq3A_175 : vector<16xi32>
      %select_n3A_177 = arith.select %eq3A_176, %mul3A_145, %broadcast_in_dim3A_147 : vector<16xi1>, vector<16xf32>
      %select_n3A_178 = arith.select %eq3A_173, %div3A_144, %select_n3A_177 : vector<16xi1>, vector<16xf32>
      tpu.vector_store_idx %arg5[%add3A_24, %broadcast_in_dim3A_7], %select_n3A_178 : memref<128x8xf32, #tpu.memory_space<vmem>>[vector<16xi32>, vector<16xi32>], vector<16xf32>,
      %eq3A_179 = arith.constant 4 : i32
      %eq3A_180 = vector.broadcast %eq3A_179 : i32 to vector<16xi32>
      %eq3A_181 = arith.cmpi eq, %select_n3A_65, %eq3A_180 : vector<16xi32>
      %eq3A_182 = arith.constant 4 : i32
      %eq3A_183 = vector.broadcast %eq3A_182 : i32 to vector<16xi32>
      %eq3A_184 = arith.cmpi eq, %select_n3A_139, %eq3A_183 : vector<16xi32>
      %select_n3A_185 = arith.select %eq3A_184, %mul3A_145, %broadcast_in_dim3A_147 : vector<16xi1>, vector<16xf32>
      %select_n3A_186 = arith.select %eq3A_181, %div3A_144, %select_n3A_185 : vector<16xi1>, vector<16xf32>
      tpu.vector_store_idx %arg5[%add3A_24, %broadcast_in_dim3A_9], %select_n3A_186 : memref<128x8xf32, #tpu.memory_space<vmem>>[vector<16xi32>, vector<16xi32>], vector<16xf32>,
      %eq3A_187 = arith.constant 5 : i32
      %eq3A_188 = vector.broadcast %eq3A_187 : i32 to vector<16xi32>
      %eq3A_189 = arith.cmpi eq, %select_n3A_65, %eq3A_188 : vector<16xi32>
      %eq3A_190 = arith.constant 5 : i32
      %eq3A_191 = vector.broadcast %eq3A_190 : i32 to vector<16xi32>
      %eq3A_192 = arith.cmpi eq, %select_n3A_139, %eq3A_191 : vector<16xi32>
      %select_n3A_193 = arith.select %eq3A_192, %mul3A_145, %broadcast_in_dim3A_147 : vector<16xi1>, vector<16xf32>
      %select_n3A_194 = arith.select %eq3A_189, %div3A_144, %select_n3A_193 : vector<16xi1>, vector<16xf32>
      tpu.vector_store_idx %arg5[%add3A_24, %broadcast_in_dim3A_11], %select_n3A_194 : memref<128x8xf32, #tpu.memory_space<vmem>>[vector<16xi32>, vector<16xi32>], vector<16xf32>,
      %eq3A_195 = arith.constant 6 : i32
      %eq3A_196 = vector.broadcast %eq3A_195 : i32 to vector<16xi32>
      %eq3A_197 = arith.cmpi eq, %select_n3A_65, %eq3A_196 : vector<16xi32>
      %eq3A_198 = arith.constant 6 : i32
      %eq3A_199 = vector.broadcast %eq3A_198 : i32 to vector<16xi32>
      %eq3A_200 = arith.cmpi eq, %select_n3A_139, %eq3A_199 : vector<16xi32>
      %select_n3A_201 = arith.select %eq3A_200, %mul3A_145, %broadcast_in_dim3A_147 : vector<16xi1>, vector<16xf32>
      %select_n3A_202 = arith.select %eq3A_197, %div3A_144, %select_n3A_201 : vector<16xi1>, vector<16xf32>
      tpu.vector_store_idx %arg5[%add3A_24, %broadcast_in_dim3A_13], %select_n3A_202 : memref<128x8xf32, #tpu.memory_space<vmem>>[vector<16xi32>, vector<16xi32>], vector<16xf32>,
      %eq3A_203 = arith.constant 7 : i32
      %eq3A_204 = vector.broadcast %eq3A_203 : i32 to vector<16xi32>
      %eq3A_205 = arith.cmpi eq, %select_n3A_65, %eq3A_204 : vector<16xi32>
      %eq3A_206 = arith.constant 7 : i32
      %eq3A_207 = vector.broadcast %eq3A_206 : i32 to vector<16xi32>
      %eq3A_208 = arith.cmpi eq, %select_n3A_139, %eq3A_207 : vector<16xi32>
      %select_n3A_209 = arith.select %eq3A_208, %mul3A_145, %broadcast_in_dim3A_147 : vector<16xi1>, vector<16xf32>
      %select_n3A_210 = arith.select %eq3A_205, %div3A_144, %select_n3A_209 : vector<16xi1>, vector<16xf32>
      tpu.vector_store_idx %arg5[%add3A_24, %broadcast_in_dim3A_15], %select_n3A_210 : memref<128x8xf32, #tpu.memory_space<vmem>>[vector<16xi32>, vector<16xi32>], vector<16xf32>,
    }
    %scan3A_20 = arith.constant 8 : i32
    "tpu.region"() ({
      %run_scoped3A = tpu.sem_alloc : memref<!tpu.dma_semaphore, #tpu.memory_space<semaphore_mem>>
      %dma_start3A = arith.constant 0 : i32
      %dma_start3A_21 = tpu.memref_slice %arg3[%mul3A_0, %dma_start3A] : memref<2048x8xf32, #tpu.memory_space<hbm>> -> memref<128x8xf32, #tpu.memory_space<hbm>>
      %dma_start3A_22 = arith.constant 0 : i32
      %dma_start3A_23 = tpu.memref_slice %arg3[%mul3A_0, %dma_start3A_22] : memref<2048x8xf32, #tpu.memory_space<hbm>> -> memref<128x8xf32, #tpu.memory_space<hbm>>
      tpu.enqueue_dma source(%arg5 : memref<128x8xf32, #tpu.memory_space<vmem>>) target(%dma_start3A_23 : memref<128x8xf32, #tpu.memory_space<hbm>>) target_semaphore(%run_scoped3A : memref<!tpu.dma_semaphore, #tpu.memory_space<semaphore_mem>>)
      %dma_wait3A = arith.constant 0 : i32
      %dma_wait3A_24 = tpu.memref_slice %arg3[%mul3A_0, %dma_wait3A] : memref<2048x8xf32, #tpu.memory_space<hbm>> -> memref<128x8xf32, #tpu.memory_space<hbm>>
      %dma_wait3A_25 = arith.constant 0 : i32
      %dma_wait3A_26 = tpu.memref_slice %arg3[%mul3A_0, %dma_wait3A_25] : memref<2048x8xf32, #tpu.memory_space<hbm>> -> memref<128x8xf32, #tpu.memory_space<hbm>>
      tpu.wait_dma2 semaphore(%run_scoped3A : memref<!tpu.dma_semaphore, #tpu.memory_space<semaphore_mem>>) src(%arg5 : memref<128x8xf32, #tpu.memory_space<vmem>>) dst(%dma_wait3A_26 : memref<128x8xf32, #tpu.memory_space<hbm>>)
      tpu.yield
    }) : () -> ()
    return
  }
}

module attributes {stable_mosaic.version = 14 : i64} {
  func.func @_logits_body(%arg0: i32, %arg1: memref<512x768xf32, #tpu.memory_space<vmem>>, %arg2: memref<768x8xf32, #tpu.memory_space<vmem>>, %arg3: memref<768x8xf32, #tpu.memory_space<vmem>>, %arg4: memref<1x8xf32, #tpu.memory_space<vmem>>, %arg5: memref<1x8xf32, #tpu.memory_space<vmem>>, %arg6: memref<512x8xf32, #tpu.memory_space<vmem>>, %arg7: memref<512x8xf32, #tpu.memory_space<vmem>>) attributes {dimension_semantics = [#tpu.dimension_semantics<arbitrary>], iteration_bounds = array<i64: 4>, scalar_prefetch = 0 : i64, scratch_operands = 0 : i64, tpu.core_type = #tpu.core_type<tc>, window_params = [{transform_indices = @transform_0, window_bounds = array<i64: 512, 768>}, {pipeline_mode = #tpu.pipeline_mode<synchronous>, transform_indices = @transform_1, window_bounds = array<i64: 768, 8>}, {pipeline_mode = #tpu.pipeline_mode<synchronous>, transform_indices = @transform_2, window_bounds = array<i64: 768, 8>}, {pipeline_mode = #tpu.pipeline_mode<synchronous>, transform_indices = @transform_3, window_bounds = array<i64: 1, 8>}, {pipeline_mode = #tpu.pipeline_mode<synchronous>, transform_indices = @transform_4, window_bounds = array<i64: 1, 8>}, {transform_indices = @transform_5, window_bounds = array<i64: 512, 8>}, {transform_indices = @transform_6, window_bounds = array<i64: 512, 8>}]} {
    %get3A = arith.constant 0 : index
    %get3A_0 = arith.constant 0 : index
    %get3A_1 = vector.load %arg1[%get3A, %get3A_0] : memref<512x768xf32, #tpu.memory_space<vmem>>, vector<512x768xf32>
    %get3A_2 = arith.constant 0 : index
    %get3A_3 = arith.constant 0 : index
    %get3A_4 = vector.load %arg2[%get3A_2, %get3A_3] : memref<768x8xf32, #tpu.memory_space<vmem>>, vector<768x8xf32>
    %dot_general3A = arith.constant dense<0.000000e+00> : vector<512x8xf32>
    %dot_general3A_5 = tpu.matmul %get3A_1, %get3A_4, %dot_general3A {dimension_numbers = #tpu.dot_dimension_numbers<[1], [0], [0], [1], [0, 0, 1, 1], [], []>, transpose_lhs_hint = false} : vector<512x768xf32>, vector<768x8xf32>, vector<512x8xf32> -> vector<512x8xf32>
    %get3A_6 = arith.constant 0 : index
    %get3A_7 = arith.constant 0 : index
    %get3A_8 = vector.load %arg4[%get3A_6, %get3A_7] : memref<1x8xf32, #tpu.memory_space<vmem>>, vector<1x8xf32>
    %add3A = vector.broadcast %get3A_8 : vector<1x8xf32> to vector<512x8xf32>
    %add3A_9 = arith.addf %dot_general3A_5, %add3A : vector<512x8xf32>
    %get3A_10 = arith.constant 0 : index
    %get3A_11 = arith.constant 0 : index
    %get3A_12 = vector.load %arg3[%get3A_10, %get3A_11] : memref<768x8xf32, #tpu.memory_space<vmem>>, vector<768x8xf32>
    %dot_general3A_13 = arith.constant dense<0.000000e+00> : vector<512x8xf32>
    %dot_general3A_14 = tpu.matmul %get3A_1, %get3A_12, %dot_general3A_13 {dimension_numbers = #tpu.dot_dimension_numbers<[1], [0], [0], [1], [0, 0, 1, 1], [], []>, transpose_lhs_hint = false} : vector<512x768xf32>, vector<768x8xf32>, vector<512x8xf32> -> vector<512x8xf32>
    %get3A_15 = arith.constant 0 : index
    %get3A_16 = arith.constant 0 : index
    %get3A_17 = vector.load %arg5[%get3A_15, %get3A_16] : memref<1x8xf32, #tpu.memory_space<vmem>>, vector<1x8xf32>
    %add3A_18 = vector.broadcast %get3A_17 : vector<1x8xf32> to vector<512x8xf32>
    %add3A_19 = arith.addf %dot_general3A_14, %add3A_18 : vector<512x8xf32>
    %get3A_20 = arith.constant 0 : index
    %get3A_21 = arith.constant 0 : index
    %get3A_22 = vector.load %arg6[%get3A_20, %get3A_21] : memref<512x8xf32, #tpu.memory_space<vmem>>, vector<512x8xf32>
    %custom_jvp_call3A = arith.constant 0.000000e+00 : f32
    %max3A = vector.broadcast %custom_jvp_call3A : f32 to vector<512x8xf32>
    %max3A_23 = arith.maximumf %add3A_19, %max3A : vector<512x8xf32>
    %sub3A = vector.broadcast %custom_jvp_call3A : f32 to vector<512x8xf32>
    %sub3A_24 = arith.subf %add3A_19, %sub3A : vector<512x8xf32>
    %ne3A = arith.cmpf one, %sub3A_24, %sub3A_24 : vector<512x8xf32>
    %add3A_25 = vector.broadcast %custom_jvp_call3A : f32 to vector<512x8xf32>
    %add3A_26 = arith.addf %add3A_19, %add3A_25 : vector<512x8xf32>
    %abs3A = math.absf %sub3A_24 : vector<512x8xf32>
    %neg3A = arith.constant 0.000000e+00 : f32
    %neg3A_27 = vector.broadcast %neg3A : f32 to vector<512x8xf32>
    %neg3A_28 = arith.subf %neg3A_27, %abs3A : vector<512x8xf32>
    %exp3A = math.exp %neg3A_28 : vector<512x8xf32>
    %log1p3A = math.log1p %exp3A : vector<512x8xf32>
    %add3A_29 = arith.addf %max3A_23, %log1p3A : vector<512x8xf32>
    %select_n3A = arith.select %ne3A, %add3A_26, %add3A_29 : vector<512x8xi1>, vector<512x8xf32>
    %mul3A = arith.mulf %get3A_22, %select_n3A : vector<512x8xf32>
    %add3A_30 = arith.addf %add3A_9, %mul3A : vector<512x8xf32>
    %swap3A = arith.constant 0 : index
    %swap3A_31 = arith.constant 0 : index
    %swap3A_32 = vector.load %arg7[%swap3A, %swap3A_31] : memref<512x8xf32, #tpu.memory_space<vmem>>, vector<512x8xf32>
    tpu.vector_store %arg7[%swap3A, %swap3A_31], %add3A_30 {strides = array<i32>} : memref<512x8xf32, #tpu.memory_space<vmem>>, vector<512x8xf32>,
    return
  }
  func.func @transform_0(%arg0: i32) -> (i32, i32) {
    %add3A = arith.constant 0 : i32
    %add3A_0 = arith.addi %add3A, %arg0 : i32
    %c0_i32 = arith.constant 0 : i32
    %c0_i32_1 = arith.constant 0 : i32
    return %add3A_0, %c0_i32 : i32, i32
  }
  func.func @transform_1(%arg0: i32) -> (i32, i32) {
    %c0_i32 = arith.constant 0 : i32
    %c0_i32_0 = arith.constant 0 : i32
    %c0_i32_1 = arith.constant 0 : i32
    return %c0_i32, %c0_i32_0 : i32, i32
  }
  func.func @transform_2(%arg0: i32) -> (i32, i32) {
    %c0_i32 = arith.constant 0 : i32
    %c0_i32_0 = arith.constant 0 : i32
    %c0_i32_1 = arith.constant 0 : i32
    return %c0_i32, %c0_i32_0 : i32, i32
  }
  func.func @transform_3(%arg0: i32) -> (i32, i32) {
    %c0_i32 = arith.constant 0 : i32
    %c0_i32_0 = arith.constant 0 : i32
    %c0_i32_1 = arith.constant 0 : i32
    return %c0_i32, %c0_i32_0 : i32, i32
  }
  func.func @transform_4(%arg0: i32) -> (i32, i32) {
    %c0_i32 = arith.constant 0 : i32
    %c0_i32_0 = arith.constant 0 : i32
    %c0_i32_1 = arith.constant 0 : i32
    return %c0_i32, %c0_i32_0 : i32, i32
  }
  func.func @transform_5(%arg0: i32) -> (i32, i32) {
    %add3A = arith.constant 0 : i32
    %add3A_0 = arith.addi %add3A, %arg0 : i32
    %c0_i32 = arith.constant 0 : i32
    %c0_i32_1 = arith.constant 0 : i32
    return %add3A_0, %c0_i32 : i32, i32
  }
  func.func @transform_6(%arg0: i32) -> (i32, i32) {
    %c0_i32 = arith.constant 0 : i32
    %c0_i32_0 = arith.constant 0 : i32
    return %arg0, %c0_i32 : i32, i32
  }
}

module attributes {stable_mosaic.version = 14 : i64} {
  func.func @_fused_body(%arg0: i32, %arg1: memref<2048x768xf32, #tpu.memory_space<vmem>>, %arg2: memref<768x8xf32, #tpu.memory_space<vmem>>, %arg3: memref<768x8xf32, #tpu.memory_space<vmem>>, %arg4: memref<1x8xf32, #tpu.memory_space<vmem>>, %arg5: memref<1x8xf32, #tpu.memory_space<vmem>>, %arg6: memref<2048x8xf32, #tpu.memory_space<vmem>>, %arg7: memref<2048x8xf32, #tpu.memory_space<vmem>>) attributes {dimension_semantics = [#tpu.dimension_semantics<arbitrary>], iteration_bounds = array<i64: 15>, scalar_prefetch = 0 : i64, scratch_operands = 0 : i64, tpu.core_type = #tpu.core_type<tc>, window_params = [{transform_indices = @transform_0, window_bounds = array<i64: 2048, 768>}, {pipeline_mode = #tpu.pipeline_mode<synchronous>, transform_indices = @transform_1, window_bounds = array<i64: 768, 8>}, {pipeline_mode = #tpu.pipeline_mode<synchronous>, transform_indices = @transform_2, window_bounds = array<i64: 768, 8>}, {pipeline_mode = #tpu.pipeline_mode<synchronous>, transform_indices = @transform_3, window_bounds = array<i64: 1, 8>}, {pipeline_mode = #tpu.pipeline_mode<synchronous>, transform_indices = @transform_4, window_bounds = array<i64: 1, 8>}, {transform_indices = @transform_5, window_bounds = array<i64: 2048, 8>}, {transform_indices = @transform_6, window_bounds = array<i64: 2048, 8>}]} {
    %get3A = arith.constant 0 : index
    %get3A_0 = arith.constant 0 : index
    %get3A_1 = vector.load %arg1[%get3A, %get3A_0] : memref<2048x768xf32, #tpu.memory_space<vmem>>, vector<2048x768xf32>
    %get3A_2 = arith.constant 0 : index
    %get3A_3 = arith.constant 0 : index
    %get3A_4 = vector.load %arg2[%get3A_2, %get3A_3] : memref<768x8xf32, #tpu.memory_space<vmem>>, vector<768x8xf32>
    %dot_general3A = arith.constant dense<0.000000e+00> : vector<2048x8xf32>
    %dot_general3A_5 = tpu.matmul %get3A_1, %get3A_4, %dot_general3A {dimension_numbers = #tpu.dot_dimension_numbers<[1], [0], [0], [1], [0, 0, 1, 1], [], []>, transpose_lhs_hint = false} : vector<2048x768xf32>, vector<768x8xf32>, vector<2048x8xf32> -> vector<2048x8xf32>
    %get3A_6 = arith.constant 0 : index
    %get3A_7 = arith.constant 0 : index
    %get3A_8 = vector.load %arg4[%get3A_6, %get3A_7] : memref<1x8xf32, #tpu.memory_space<vmem>>, vector<1x8xf32>
    %add3A = vector.broadcast %get3A_8 : vector<1x8xf32> to vector<2048x8xf32>
    %add3A_9 = arith.addf %dot_general3A_5, %add3A : vector<2048x8xf32>
    %get3A_10 = arith.constant 0 : index
    %get3A_11 = arith.constant 0 : index
    %get3A_12 = vector.load %arg3[%get3A_10, %get3A_11] : memref<768x8xf32, #tpu.memory_space<vmem>>, vector<768x8xf32>
    %dot_general3A_13 = arith.constant dense<0.000000e+00> : vector<2048x8xf32>
    %dot_general3A_14 = tpu.matmul %get3A_1, %get3A_12, %dot_general3A_13 {dimension_numbers = #tpu.dot_dimension_numbers<[1], [0], [0], [1], [0, 0, 1, 1], [], []>, transpose_lhs_hint = false} : vector<2048x768xf32>, vector<768x8xf32>, vector<2048x8xf32> -> vector<2048x8xf32>
    %get3A_15 = arith.constant 0 : index
    %get3A_16 = arith.constant 0 : index
    %get3A_17 = vector.load %arg5[%get3A_15, %get3A_16] : memref<1x8xf32, #tpu.memory_space<vmem>>, vector<1x8xf32>
    %add3A_18 = vector.broadcast %get3A_17 : vector<1x8xf32> to vector<2048x8xf32>
    %add3A_19 = arith.addf %dot_general3A_14, %add3A_18 : vector<2048x8xf32>
    %get3A_20 = arith.constant 0 : index
    %get3A_21 = arith.constant 0 : index
    %get3A_22 = vector.load %arg6[%get3A_20, %get3A_21] : memref<2048x8xf32, #tpu.memory_space<vmem>>, vector<2048x8xf32>
    %custom_jvp_call3A = arith.constant 0.000000e+00 : f32
    %max3A = vector.broadcast %custom_jvp_call3A : f32 to vector<2048x8xf32>
    %max3A_23 = arith.maximumf %add3A_19, %max3A : vector<2048x8xf32>
    %sub3A = vector.broadcast %custom_jvp_call3A : f32 to vector<2048x8xf32>
    %sub3A_24 = arith.subf %add3A_19, %sub3A : vector<2048x8xf32>
    %ne3A = arith.cmpf one, %sub3A_24, %sub3A_24 : vector<2048x8xf32>
    %add3A_25 = vector.broadcast %custom_jvp_call3A : f32 to vector<2048x8xf32>
    %add3A_26 = arith.addf %add3A_19, %add3A_25 : vector<2048x8xf32>
    %abs3A = math.absf %sub3A_24 : vector<2048x8xf32>
    %neg3A = arith.constant 0.000000e+00 : f32
    %neg3A_27 = vector.broadcast %neg3A : f32 to vector<2048x8xf32>
    %neg3A_28 = arith.subf %neg3A_27, %abs3A : vector<2048x8xf32>
    %exp3A = math.exp %neg3A_28 : vector<2048x8xf32>
    %log1p3A = math.log1p %exp3A : vector<2048x8xf32>
    %add3A_29 = arith.addf %max3A_23, %log1p3A : vector<2048x8xf32>
    %select_n3A = arith.select %ne3A, %add3A_26, %add3A_29 : vector<2048x8xi1>, vector<2048x8xf32>
    %mul3A = arith.mulf %get3A_22, %select_n3A : vector<2048x8xf32>
    %add3A_30 = arith.addf %add3A_9, %mul3A : vector<2048x8xf32>
    %iota3A = tpu.iota {dimensions = array<i32: 1>} : vector<2048x8xi32>
    %reduce_max3A = arith.constant dense<0xFF800000> : vector<2048xf32>
    %reduce_max3A_31 = vector.multi_reduction <maximumf>, %add3A_30, %reduce_max3A [1] : vector<2048x8xf32> to vector<2048xf32>
    %broadcast_in_dim3A = vector.shape_cast %reduce_max3A_31 : vector<2048xf32> to vector<2048x1xf32>
    %eq3A = vector.broadcast %broadcast_in_dim3A : vector<2048x1xf32> to vector<2048x8xf32>
    %eq3A_32 = arith.cmpf oeq, %add3A_30, %eq3A : vector<2048x8xf32>
    %jit3A = arith.constant 8 : i32
    %broadcast_in_dim3A_33 = vector.broadcast %jit3A : i32 to vector<2048x8xi32>
    %select_n3A_34 = arith.select %eq3A_32, %iota3A, %broadcast_in_dim3A_33 : vector<2048x8xi1>, vector<2048x8xi32>
    %reduce_min3A = arith.constant dense<2147483647> : vector<2048xi32>
    %reduce_min3A_35 = vector.multi_reduction <minsi>, %select_n3A_34, %reduce_min3A [1] : vector<2048x8xi32> to vector<2048xi32>
    %broadcast_in_dim3A_36 = vector.shape_cast %reduce_min3A_35 : vector<2048xi32> to vector<2048x1xi32>
    %eq3A_37 = vector.broadcast %broadcast_in_dim3A_36 : vector<2048x1xi32> to vector<2048x8xi32>
    %eq3A_38 = arith.cmpi eq, %iota3A, %eq3A_37 : vector<2048x8xi32>
    %jit3A_39 = arith.constant 0xFF800000 : f32
    %broadcast_in_dim3A_40 = vector.broadcast %jit3A_39 : f32 to vector<2048x8xf32>
    %select_n3A_41 = arith.select %eq3A_38, %broadcast_in_dim3A_40, %add3A_30 : vector<2048x8xi1>, vector<2048x8xf32>
    %reduce_max3A_42 = arith.constant dense<0xFF800000> : vector<2048xf32>
    %reduce_max3A_43 = vector.multi_reduction <maximumf>, %select_n3A_41, %reduce_max3A_42 [1] : vector<2048x8xf32> to vector<2048xf32>
    %broadcast_in_dim3A_44 = vector.shape_cast %reduce_max3A_43 : vector<2048xf32> to vector<2048x1xf32>
    %eq3A_45 = vector.broadcast %broadcast_in_dim3A_44 : vector<2048x1xf32> to vector<2048x8xf32>
    %eq3A_46 = arith.cmpf oeq, %select_n3A_41, %eq3A_45 : vector<2048x8xf32>
    %jit3A_47 = arith.constant 8 : i32
    %broadcast_in_dim3A_48 = vector.broadcast %jit3A_47 : i32 to vector<2048x8xi32>
    %select_n3A_49 = arith.select %eq3A_46, %iota3A, %broadcast_in_dim3A_48 : vector<2048x8xi1>, vector<2048x8xi32>
    %reduce_min3A_50 = arith.constant dense<2147483647> : vector<2048xi32>
    %reduce_min3A_51 = vector.multi_reduction <minsi>, %select_n3A_49, %reduce_min3A_50 [1] : vector<2048x8xi32> to vector<2048xi32>
    %broadcast_in_dim3A_52 = vector.shape_cast %reduce_min3A_51 : vector<2048xi32> to vector<2048x1xi32>
    %sub3A_53 = arith.subf %broadcast_in_dim3A_44, %broadcast_in_dim3A : vector<2048x1xf32>
    %exp3A_54 = math.exp %sub3A_53 : vector<2048x1xf32>
    %add3A_55 = arith.constant 1.000000e+00 : f32
    %add3A_56 = vector.broadcast %add3A_55 : f32 to vector<2048x1xf32>
    %add3A_57 = arith.addf %add3A_56, %exp3A_54 : vector<2048x1xf32>
    %div3A = arith.constant 1.000000e+00 : f32
    %div3A_58 = vector.broadcast %div3A : f32 to vector<2048x1xf32>
    %div3A_59 = arith.divf %div3A_58, %add3A_57 : vector<2048x1xf32>
    %eq3A_60 = vector.broadcast %broadcast_in_dim3A_36 : vector<2048x1xi32> to vector<2048x8xi32>
    %eq3A_61 = arith.cmpi eq, %iota3A, %eq3A_60 : vector<2048x8xi32>
    %eq3A_62 = vector.broadcast %broadcast_in_dim3A_52 : vector<2048x1xi32> to vector<2048x8xi32>
    %eq3A_63 = arith.cmpi eq, %iota3A, %eq3A_62 : vector<2048x8xi32>
    %mul3A_64 = arith.mulf %exp3A_54, %div3A_59 : vector<2048x1xf32>
    %jit3A_65 = arith.constant 0.000000e+00 : f32
    %broadcast_in_dim3A_66 = vector.shape_cast %mul3A_64 : vector<2048x1xf32> to vector<2048x1xf32>
    %broadcast_in_dim3A_67 = vector.broadcast %broadcast_in_dim3A_66 : vector<2048x1xf32> to vector<2048x8xf32>
    %broadcast_in_dim3A_68 = vector.broadcast %jit3A_65 : f32 to vector<2048x8xf32>
    %select_n3A_69 = arith.select %eq3A_63, %broadcast_in_dim3A_67, %broadcast_in_dim3A_68 : vector<2048x8xi1>, vector<2048x8xf32>
    %broadcast_in_dim3A_70 = vector.shape_cast %div3A_59 : vector<2048x1xf32> to vector<2048x1xf32>
    %broadcast_in_dim3A_71 = vector.broadcast %broadcast_in_dim3A_70 : vector<2048x1xf32> to vector<2048x8xf32>
    %select_n3A_72 = arith.select %eq3A_61, %broadcast_in_dim3A_71, %select_n3A_69 : vector<2048x8xi1>, vector<2048x8xf32>
    %swap3A = arith.constant 0 : index
    %swap3A_73 = arith.constant 0 : index
    %swap3A_74 = vector.load %arg7[%swap3A, %swap3A_73] : memref<2048x8xf32, #tpu.memory_space<vmem>>, vector<2048x8xf32>
    tpu.vector_store %arg7[%swap3A, %swap3A_73], %select_n3A_72 {strides = array<i32>} : memref<2048x8xf32, #tpu.memory_space<vmem>>, vector<2048x8xf32>,
    return
  }
  func.func @transform_0(%arg0: i32) -> (i32, i32) {
    %add3A = arith.constant 1 : i32
    %add3A_0 = arith.addi %add3A, %arg0 : i32
    %c0_i32 = arith.constant 0 : i32
    %c0_i32_1 = arith.constant 0 : i32
    return %add3A_0, %c0_i32 : i32, i32
  }
  func.func @transform_1(%arg0: i32) -> (i32, i32) {
    %c0_i32 = arith.constant 0 : i32
    %c0_i32_0 = arith.constant 0 : i32
    %c0_i32_1 = arith.constant 0 : i32
    return %c0_i32, %c0_i32_0 : i32, i32
  }
  func.func @transform_2(%arg0: i32) -> (i32, i32) {
    %c0_i32 = arith.constant 0 : i32
    %c0_i32_0 = arith.constant 0 : i32
    %c0_i32_1 = arith.constant 0 : i32
    return %c0_i32, %c0_i32_0 : i32, i32
  }
  func.func @transform_3(%arg0: i32) -> (i32, i32) {
    %c0_i32 = arith.constant 0 : i32
    %c0_i32_0 = arith.constant 0 : i32
    %c0_i32_1 = arith.constant 0 : i32
    return %c0_i32, %c0_i32_0 : i32, i32
  }
  func.func @transform_4(%arg0: i32) -> (i32, i32) {
    %c0_i32 = arith.constant 0 : i32
    %c0_i32_0 = arith.constant 0 : i32
    %c0_i32_1 = arith.constant 0 : i32
    return %c0_i32, %c0_i32_0 : i32, i32
  }
  func.func @transform_5(%arg0: i32) -> (i32, i32) {
    %add3A = arith.constant 1 : i32
    %add3A_0 = arith.addi %add3A, %arg0 : i32
    %c0_i32 = arith.constant 0 : i32
    %c0_i32_1 = arith.constant 0 : i32
    return %add3A_0, %c0_i32 : i32, i32
  }
  func.func @transform_6(%arg0: i32) -> (i32, i32) {
    %c0_i32 = arith.constant 0 : i32
    %c0_i32_0 = arith.constant 0 : i32
    return %arg0, %c0_i32 : i32, i32
  }
}

</mosaic_0001>

<sc_bundles>
// kernel: _gating.5.cloned.1.call-start
scs
__scs_entry_jumppad:
0x0: {  	(pc) =	sbr.rel $0x88, $3  }
0x1: {  	(tag) =	ssettag $0x0;
	lr =	simm.s32 $0x1  }
0x2: {  	[smem:$0x3F9B] =	sst lr;
	_ =	strace $0xD0000000  }
0x3: {  	_ = 	snop  }
0x4: {  	_ = 	snop  }
0x5: {  	_ = 	snop  }
0x6: {  	_ = 	snop  }
0x7: {  	_ = 	snop  }
__scs_overlays_trampoline_lowered:
0x8: {  	[smem:$0x3FAA] =	sst s0  }
0x9: {  	[smem:$0x3FAB] =	sst s1  }
0xa: {  	[smem:$0x3FAC] =	sst s2  }
0xb: {  	[smem:$0x3FAD] =	sst s3  }
0xc: {  	[smem:$0x3FAE] =	sst s4  }
0xd: {  	[smem:$0x3FAF] =	sst s5  }
0xe: {  	[smem:$0x3FB0] =	sst s6  }
0xf: {  	[smem:$0x3FB1] =	sst s7  }
0x10: {  	[smem:$0x3FB2] =	sst s8  }
0x11: {  	[smem:$0x3FB3] =	sst s9;
	s0 =	simm.s32 @!p0 $0x0  }
0x12: {  	s1 =	sld [smem:$0x3F99];
	s0 =	simm.s32 @p0 $0x1  }
0x13: {  	[smem:$0x3FB4] =	sst s0;
	s0 =	simm.s32 @!p1 $0x0  }
0x14: {  	s2 =	sld [smem:$0x3F98];
	s0 =	simm.s32 @p1 $0x1  }
0x15: {  	[smem:$0x3FB5] =	sst s0;
	s0 =	simm.s32 @!p2 $0x0  }
0x16: {  	s3 =	sld [smem:$0x3FDB];
	s0 =	simm.s32 @p2 $0x1  }
0x17: {  	s4 =	simm.s32 $0x1BF5;
	[smem:$0x3FB7] =	sst s0  }
0x18: {  	s0 =	sld [smem:$0x3F9A];
	_ =	swait.ge [sflag:s4], $0x0  }
0x19: {  	s7 =	sld [smem:$0x3F9B]  }
0x1a: {  	s8 =	sadd.s32 $0xFFFFE003, lr  }
0x1b: {  	s9 =	sadd.s32 $0xFFFFFEF7, lr;
	s5 =	simm.s32 $0xFFFFFFFF;
	p2 =	slt.u32 s8, $0xFFFFF086  }
0x1c: {  	p1 =	slt.u32 s9, $0xF7A;
	s5 =	simm.s32 @!p2 $0x0  }
0x1d: {  	s5 =	simm.s32 @p1 $0x1;
	p0 =	seq.s32 s7, s2  }
0x1e: {  	s7 =	smul.u32 @!p0 $0xF7A, s2;
	p2 =	seq.s32 @!p0 s5, $0x0  }
0x1f: {  	s9 =	smul.u32 $0xF7A, s1;
	s8 =	simm.s32 @!p0 $0x1BF5;
	p2 =	por !p2, p0  }
0x20: {  	[sflag:s8] =	ssyncset.s32 @!p0 $0xFFFFF086;
	s6 =	sadd.s32 @!p0 s3, s7;
	s7 =	simm.s32 @!p0 $0x108  }
0x21: {  	s3 =	sadd.s32 s3, s9;
	s6 =	sadd.s32 @!p0 $0x88, s6;
	s7 =	simm.s32 @p2 $0x1082  }
0x22: {  	[simem:s7], [sflag:s8] =	dma.local @!p0 [hbm:s6], $0xF7A  }
0x23: {  	s9 =	sor.u32 $0xD0000000, s2;
	s6 =	simm.s32 $0x108;
	_ =	swait.ge @!p0 [sflag:s8], $0x0  }
0x24: {  	s3 =	sadd.s32 $0x88, s3;
	s6 =	simm.s32 @!p1 $0x1082;
	[sflag:s4] =	ssyncset.s32 $0xFFFFF086  }
0x25: {  	[simem:s6], [sflag:s4] =	dma.local [hbm:s3], $0xF7A  }
0x26: {  	[smem:$0x3F9B] =	sst s1;
	(tag) =	ssettag s2;
	_ =	strace s9  }
0x27: {  	s1 =	sld [smem:$0x3FAB]  }
0x28: {  	s2 =	sld [smem:$0x3FAC]  }
0x29: {  	s4 =	sld [smem:$0x3FAE]  }
0x2a: {  	p0 =	seq.s32 s5, $0x0;
	s5 =	sld [smem:$0x3FAF]  }
0x2b: {  	s6 =	sld [smem:$0x3FB0]  }
0x2c: {  	s7 =	sld [smem:$0x3FB1]  }
0x2d: {  	s3 =	simm.s32 $0x108;
	s8 =	sld [smem:$0x3FB2]  }
0x2e: {  	s3 =	simm.s32 @!p0 $0x1082;
	s9 =	sld [smem:$0x3FB3]  }
0x2f: {  	lr =	sadd.s32 s0, s3;
	s0 =	sld [smem:$0x3FAA]  }
0x30: {  	s3 =	sld [smem:$0x3FAD]  }
0x31: {  	[smem:$0x3FB6] =	sst s10  }
0x32: {  	s10 =	sld [smem:$0x3FB4];
	_ =	sdelay $0x3  }
0x33: {  	p0 =	seq.s32 s10, $0x1;
	s10 =	sld [smem:$0x3FB6];
	_ =	sdelay $0x3  }
0x34: {  	[smem:$0x3FB6] =	sst s10  }
0x35: {  	s10 =	sld [smem:$0x3FB5];
	_ =	sdelay $0x3  }
0x36: {  	p1 =	seq.s32 s10, $0x1;
	s10 =	sld [smem:$0x3FB6];
	_ =	sdelay $0x3  }
0x37: {  	[smem:$0x3FB6] =	sst s10  }
0x38: {  	s10 =	sld [smem:$0x3FB7]  }
0x39: {  	_ = 	snop;
	(pc) =	sbr.ind lr, $3  }
0x3a: {  	_ = 	snop  }
0x3b: {  	_ = 	snop  }
0x3c: {  	p2 =	seq.s32 s10, $0x1;
	s10 =	sld [smem:$0x3FB6]  }
0x3d: {  	_ =	shalt  }
0x3e: {  	_ =	shalt  }
0x3f: {  	_ =	shalt  }
0x40: {  	_ =	shalt  }
0x41: {  	_ =	shalt  }
0x42: {  	_ =	shalt  }
0x43: {  	_ =	shalt  }
0x44: {  	_ =	shalt  }
0x45: {  	_ =	shalt  }
0x46: {  	_ =	shalt  }
0x47: {  	_ =	shalt  }
0x48: {  	_ =	shalt  }
0x49: {  	_ =	shalt  }
0x4a: {  	_ =	shalt  }
0x4b: {  	_ =	shalt  }
0x4c: {  	_ =	shalt  }
0x4d: {  	_ =	shalt  }
0x4e: {  	_ =	shalt  }
0x4f: {  	_ =	shalt  }
0x50: {  	_ =	shalt  }
0x51: {  	_ =	shalt  }
0x52: {  	_ =	shalt  }
0x53: {  	_ =	shalt  }
0x54: {  	_ =	shalt  }
0x55: {  	_ =	shalt  }
0x56: {  	_ =	shalt  }
0x57: {  	_ =	shalt  }
0x58: {  	_ =	shalt  }
0x59: {  	_ =	shalt  }
0x5a: {  	_ =	shalt  }
0x5b: {  	_ =	shalt  }
0x5c: {  	_ =	shalt  }
0x5d: {  	_ =	shalt  }
0x5e: {  	_ =	shalt  }
0x5f: {  	_ =	shalt  }
0x60: {  	_ =	shalt  }
0x61: {  	_ =	shalt  }
0x62: {  	_ =	shalt  }
0x63: {  	_ =	shalt  }
0x64: {  	_ =	shalt  }
0x65: {  	_ =	shalt  }
0x66: {  	_ =	shalt  }
0x67: {  	_ =	shalt  }
0x68: {  	_ =	shalt  }
0x69: {  	_ =	shalt  }
0x6a: {  	_ =	shalt  }
0x6b: {  	_ =	shalt  }
0x6c: {  	_ =	shalt  }
0x6d: {  	_ =	shalt  }
0x6e: {  	_ =	shalt  }
0x6f: {  	_ =	shalt  }
0x70: {  	_ =	shalt  }
0x71: {  	_ =	shalt  }
0x72: {  	_ =	shalt  }
0x73: {  	_ =	shalt  }
0x74: {  	_ =	shalt  }
0x75: {  	_ =	shalt  }
0x76: {  	_ =	shalt  }
0x77: {  	_ =	shalt  }
0x78: {  	_ =	shalt  }
0x79: {  	_ =	shalt  }
0x7a: {  	_ =	shalt  }
0x7b: {  	_ =	shalt  }
0x7c: {  	_ =	shalt  }
0x7d: {  	_ =	shalt  }
0x7e: {  	_ =	shalt  }
0x7f: {  	_ =	shalt  }
0x80: {  	_ =	shalt  }
0x81: {  	_ =	shalt  }
0x82: {  	_ =	shalt  }
0x83: {  	_ =	shalt  }
0x84: {  	_ =	shalt  }
0x85: {  	_ =	shalt  }
0x86: {  	_ =	shalt  }
0x87: {  	_ =	shalt  }
.Lfunc_end0:
.L_simem_size_0:
called_computation_lowered:
.L_overlay_start_0:
0x88: {  	s0 =	sld [smem:$0x3FD9]  }
0x89: {  	s1 =	sld [smem:$0x3FFE];
	_ =	sdelay $0x3  }
0x8a: {  	s0 =	sadd.s32 s1, s0  }
0x8b: {  	[smem:$0x3FC2] =	sst s0  }
0x8c: {  	_ = 	snop  }
0x8d: {  	s0 =	sld [smem:$0x3FD0];
	(tm) =	ssettm $0x1  }
0x8e: {  	s16 =	sld [smem:$0x3FFB];
	_ =	sdelay $0x3  }
0x8f: {  	_ =	strace s16  }
0x90: {  	s1 =	sld [smem:$0x3FFC];
	_ =	sdelay $0x3  }
0x91: {  	_ =	strace s1  }
0x92: {  	s1 =	sld [smem:$0x3FFD];
	_ =	sdelay $0x3  }
0x93: {  	_ =	strace s1  }
0x94: {  	_ =	strace $0x8FFFFFFF  }
0x95: {  	s17 =	sld [smem:$0x3FDB];
	_ =	sdelay $0x1  }
0x96: {  	s2 =	simm.s32 $_scs_section_size  }
0x97: {  	s3 =	simm.s32 $_size__tile_overlayer_lowered;
	s4 =	simm.s32 $_tile_overlayer_lowered  }
0x98: {  	s20 =	simm.s32 $0x1BFF;
	s19 =	sshll.u32 s4, $0x1;
	s1 =	sadd.s32 s2, s17  }
0x99: {  	s5 =	simm.s32 $0x0;
	s18 =	sshll.u32 s3, $0x1;
	s3 =	sadd.s32 s19, s1  }
0x9a: {  	[timem:s5], [sflag:s20] =	dma.local [hbm:s3], s18  }
0x9b: {  	_ =	swait.ge [sflag:s20], s18  }
0x9c: {  	s2 =	ssub.s32 $0x0, s18;
	[sflag:s20] =	ssyncset.done $0x0  }
0x9d: {  	[sflag:s20] =	ssyncadd.s32 s2;
	_ =	sdelay $0x1  }
0x9e: {  	s21 =	simm.s32 $0x1B8B  }
0x9f: {  	_ =	swait.ge [sflag:s21], $0x1  }
0xa0: {  	[sflag:s21] =	ssyncset.done $0x0  }
0xa1: {  	s23 =	simm.s32 $0x1B8E;
	s22 =	sld [smem:$0x3FFE];
	[sflag:s21] =	ssyncadd.s32 $0xFFFFFFFF  }
0xa2: {  	s24 =	simm.s32 $execute0_lowered;
	[smem:$0x3FD2] =	sst s23  }
0xa3: {  	s3 =	sshll.u32 s24, $0x1;
	_ =	strace $0x80000046;
	[dreg:$0x1] =	wrdreg $0xFFFFFFFF  }
0xa4: {  	s25 =	simm.s32 $_size_execute0_lowered;
	s1 =	sadd.s32 s1, s3;
	[dreg:$0x0] =	wrdreg $0x0  }
0xa5: {  	s3 =	sshll.u32 s25, $0x1;
	[dreg:$0x2] =	wrdreg s1  }
0xa6: {  	[dreg:$0x3] =	wrdreg s3  }
0xa7: {  	[dreg:$0x4] =	wrdreg $0xC0  }
0xa8: {  	_ =	task [dreg:s5], $0x5FFFF  }
0xa9: {  	[dreg:$0x1] =	wrdreg $0xFFFFFFFF  }
0xaa: {  	[dreg:$0x0] =	wrdreg $0x60  }
0xab: {  	[dreg:$0x2] =	wrdreg s0  }
0xac: {  	[dreg:$0x3] =	wrdreg s22  }
0xad: {  	[dreg:$0x4] =	wrdreg $0x9  }
0xae: {  	_ =	task.clear_ibuf [dreg:s5], $0x5FFFF;
	_ =	strace $0x90000046  }
0xaf: {  	s26 =	simm.s32 $0x9;
	_ =	strace $0x80000048  }
0xb0: {  	_ =	swait.ge [sflag:s26], $0x1  }
0xb1: {  	[sflag:s26] =	ssyncadd.s32 $0xFFFFFFFF  }
0xb2: {  	_ =	strace $0x90000048  }
0xb3: {  	_ =	sfence  }
0xb4: {  	s28 =	sld [smem:$0x0];
	_ =	sdelay $0x1  }
0xb5: {  	s29 =	srdreg.scid  }
0xb6: {  	s30 =	sshll.u32 s29, $0xD;
	s31 =	sshrl.u32 s29, $0x2  }
0xb7: {  	s2 =	sand.u32 $0x4000, s30;
	s1 =	sand.u32 $0x1, s29;
	s0 =	sadd.s32 s31, s28  }
0xb8: {  	s1 =	sor.u32 s2, s1;
	s0 =	sshll.u32 s0, $0x11  }
0xb9: {  	s0 =	sor.u32 s0, s1  }
0xba: {  	s0 =	sadd.s32 $0x8F2B, s0  }
0xbb: {  	[sflag:s0] =	ssyncadd.remote.s32 $0x1  }
0xbc: {  	_ =	sfence.sel $0xFFFF  }
0xbd: {  	[dreg:$0x0] =	wrdreg $0xFFFFFFFF;
	(pc) =	sbr.abs _section_cstart, $3  }
0xbe: {  	[dreg:$0x1] =	wrdreg $0xFFFFFFFF  }
0xbf: {  	_ =	task.clear_ibuf [dreg:s5], $0x2FFFF;
	_ =	strace $0x9FFFFFFF  }
0xc0: {  	(tm) =	ssettm $0x7FFFFFFF  }
0xc1: {  	_ =	shalt  }
tec
execute0_lowered:
.L_overlay_start_1:
0x0: {  	(tag) =	ssettag $0x1  }
0x1: {  	s4 =	rddreg [dreg:$0x0]  }
0x2: {  	s5 =	rddreg [dreg:$0x1];
	s3 =	simm.s32 $0x0;
	v0 =	vlaneseq.u32  }
0x3: {  	s0 =	rddreg [dreg:$0x2];
	s1 =	stileid.u32;
	v0 =	vmul.u32 $0x80, v0;
	v1 =	vmov s3  }
0x4: {  	[smem:$0x7FF] =	sst s3;
	s2 =	sshll.u32 s1, $0xB;
	v1 =	vshll.u32 v1, $0x7  }
0x5: {  	s31 =	simm.s32 $0x1;
	_ =	strace $0x80000047;
	s4 =	sadd.s32 s4, s2;
	v4 =	vor.u32 v0, v1  }
0x6: {  	[tilespmem:s3], [sflag:$0x1] =	stream.linear.gather [hbm4b:s4+s3], $0x4000, $0x38;
	v5 =	vor.u32 $0x1, v4;
	[tilespmem:$0x8000] =	vst v63  }
0x7: {  	_ =	swait.ge [sflag:s31], $0x4000  }
0x8: {  	v6 =	vor.u32 $0x2, v4;
	[sflag:s31] =	ssyncset.done $0x0  }
0x9: {  	[sflag:s31] =	ssyncadd.s32 $0xFFFFC000  }
0xa: {  	v7 =	vor.u32 $0x3, v4;
	v2 =	vld.idx.msk [tilespmem:v4+s3+$0x0], $0xffff  }
0xb: {  	v8 =	vld.idx.msk [tilespmem:v5+s3+$0x0], $0xffff  }
0xc: {  	v9 =	vor.u32 $0x4, v4  }
0xd: {  	v10 =	vld.idx.msk [tilespmem:v6+s3+$0x0], $0xffff  }
0xe: {  	v11 =	vor.u32 $0x5, v4  }
0xf: {  	v12 =	vld.idx.msk [tilespmem:v7+s3+$0x0], $0xffff  }
0x10: {  	v13 =	vor.u32 $0x6, v4;
	vm0 =	vgt.f32 v8, v2  }
0x11: {  	v14 =	vld.idx.msk [tilespmem:v9+s3+$0x0], $0xffff;
	v1 =	vsel vm0, v8, v2  }
0x12: {  	v3 =	vor.u32 $0x7, v4;
	vm1 =	vgt.f32 v10, v1  }
0x13: {  	v15 =	vld.idx.msk [tilespmem:v11+s3+$0x0], $0xffff;
	v1 =	vsel vm1, v10, v1  }
0x14: {  	vm2 =	vgt.f32 v12, v1  }
0x15: {  	v16 =	vld.idx.msk [tilespmem:v13+s3+$0x0], $0xffff;
	v17 =	vsel vm2, v12, v1  }
0x16: {  	vm3 =	vgt.f32 v14, v17  }
0x17: {  	v18 =	vld.idx.msk [tilespmem:v3+s3+$0x0], $0xffff;
	v1 =	vimm.s32 $0x0;
	v17 =	vsel vm3, v14, v17  }
0x18: {  	v19 =	vsel vm0, $0x1, v1;
	vm6 =	vgt.f32 v15, v17  }
0x19: {  	v19 =	vsel vm1, $0x2, v19;
	v17 =	vsel vm6, v15, v17  }
0x1a: {  	v19 =	vsel vm2, $0x3, v19;
	vm1 =	vgt.f32 v16, v17  }
0x1b: {  	v19 =	vsel vm3, $0x4, v19;
	v17 =	vsel vm1, v16, v17  }
0x1c: {  	v19 =	vsel vm6, $0x5, v19;
	vm7 =	vgt.f32 v18, v17  }
0x1d: {  	v19 =	vsel vm1, $0x6, v19;
	vm0 =	vmneg vm7  }
0x1e: {  	vm8 =	vlt.f32 v2, $-Inf;
	vm9 =	vgt.f32 v2, $-Inf;
	v19 =	vnsel vm0, $0x7, v19  }
0x1f: {  	vm2 =	vmor vm9, vm8;
	vm10 =	vne.s32 v19, $0x0  }
0x20: {  	vm3 =	vmand vm2, vm10  }
0x21: {  	v2 =	vnsel vm3, $0xFF800000, v2  }
0x22: {  	vm4 =	vne.s32 v19, $0x1;
	vm11 =	vgt.f32 v8, v2  }
0x23: {  	vm4 =	vmand vm4, vm11  }
0x24: {  	v2 =	vsel vm4, v8, v2  }
0x25: {  	vm5 =	vne.s32 v19, $0x2;
	vm12 =	vgt.f32 v10, v2  }
0x26: {  	vm5 =	vmand vm5, vm12  }
0x27: {  	v2 =	vsel vm5, v10, v2  }
0x28: {  	vm6 =	vne.s32 v19, $0x3;
	vm13 =	vgt.f32 v12, v2  }
0x29: {  	vm6 =	vmand vm6, vm13  }
0x2a: {  	v2 =	vsel vm6, v12, v2  }
0x2b: {  	vm7 =	vne.s32 v19, $0x4;
	vm14 =	vgt.f32 v14, v2  }
0x2c: {  	vm7 =	vmand vm7, vm14  }
0x2d: {  	v2 =	vsel vm7, v14, v2  }
0x2e: {  	vm8 =	vne.s32 v19, $0x5;
	vm15 =	vgt.f32 v15, v2  }
0x2f: {  	vm8 =	vmand vm8, vm15  }
0x30: {  	v2 =	vsel vm8, v15, v2  }
0x31: {  	vm12 =	vgt.f32 v16, v2  }
0x32: {  	vm1 =	vmand vm1, vm0;
	vm2 =	vmneg vm12  }
0x33: {  	vm9 =	vmor vm1, vm2  }
0x34: {  	v2 =	vsel vm9, v2, v16  }
0x35: {  	vm13 =	vgt.f32 v18, v2  }
0x36: {  	vm2 =	vmand vm0, vm13  }
0x37: {  	v8 =	vsel vm0, v17, v18;
	v2 =	vsel vm2, v18, v2  }
0x38: {  	v2 =	vsub.f32 v2, v8;
	_ =	sdelay $0x1  }
0x39: {  	v2 =	vmul.f32 $1.442695020e+00, v2;
	_ =	sdelay $0x1  }
0x3a: {  	(erf) = vpow2.f32 v2;
	_ =	sdelay $0x8  }
0x3b: {  	v8 =	vpop (erf)  }
0x3c: {  	v2 =	vadd.f32 $1.000000000e+00, v8;
	_ =	sdelay $0x1  }
0x3d: {  	(erf) = vrcp.f32 v2;
	_ =	sdelay $0x1  }
0x3e: {  	v2 =	vimm.s32 $0x8  }
0x3f: {  	v55 =	vsel vm3, $0x0, v2  }
0x40: {  	v10 =	vsel vm4, $0x1, v55  }
0x41: {  	v10 =	vsel vm5, $0x2, v10  }
0x42: {  	v10 =	vsel vm6, $0x3, v10  }
0x43: {  	v10 =	vsel vm7, $0x4, v10  }
0x44: {  	vm10 =	veq.s32 v19, $0x1;
	v10 =	vsel vm8, $0x5, v10  }
0x45: {  	vm14 =	veq.s32 v19, $0x0;
	vm4 =	veq.s32 v19, $0x5;
	v10 =	vnsel vm9, $0x6, v10;
	v56 =	vpop (erf)  }
0x46: {  	vm5 =	veq.s32 v19, $0x2;
	v10 =	vsel vm2, $0x7, v10;
	v8 =	vmul.f32 v56, v8  }
0x47: {  	vm6 =	veq.s32 v19, $0x3;
	vm7 =	veq.s32 v19, $0x4;
	vm15 =	veq.s32 v10, $0x0  }
0x48: {  	vm11 =	veq.s32 v10, $0x1;
	vm12 =	veq.s32 v10, $0x2;
	v57 =	vnsel vm15, $0x0, v8  }
0x49: {  	s4 =	simm.s32 $0x4000;
	vm13 =	veq.s32 v10, $0x3;
	v58 =	vnsel vm11, $0x0, v8;
	v14 =	vsel vm14, v56, v57  }
0x4a: {  	v59 =	vnsel vm12, $0x0, v8;
	v60 =	vnsel vm13, $0x0, v8;
	v15 =	vsel vm10, v56, v58;
	[tilespmem:v4+s4+$0x0] =	vst.idx.msk $0xffff, v14  }
0x4b: {  	s6 =	simm.s32 $0x10;
	vm15 =	veq.s32 v10, $0x5;
	vm14 =	veq.s32 v10, $0x4;
	v4 =	vsel vm5, v56, v59;
	[tilespmem:v5+s4+$0x0] =	vst.idx.msk $0xffff, v15  }
0x4c: {  	v61 =	vsel vm6, v56, v60;
	v5 =	vnsel vm14, $0x0, v8;
	[tilespmem:v6+s4+$0x0] =	vst.idx.msk $0xffff, v4;
	v6 =	vmov s6  }
0x4d: {  	v4 =	vnsel vm15, $0x0, v8;
	v5 =	vsel vm7, v56, v5;
	v6 =	vshll.u32 v6, $0x7  }
0x4e: {  	vm3 =	vmor vm2, vm9;
	[tilespmem:v7+s4+$0x0] =	vst.idx.msk $0xffff, v61;
	v7 =	vsel vm4, v56, v4;
	v4 =	vor.u32 v0, v6  }
0x4f: {  	v62 =	vsel vm3, $0x0, v8;
	[tilespmem:v9+s4+$0x0] =	vst.idx.msk $0xffff, v5;
	v6 =	vor.u32 $0x1, v4  }
0x50: {  	v63 =	vsel vm1, v56, v62;
	v5 =	vnsel vm2, $0x0, v8;
	[tilespmem:v11+s4+$0x0] =	vst.idx.msk $0xffff, v7  }
0x51: {  	s5 =	sadd.s32 $0x87800, s5;
	s6 =	simm.s32 $0x20;
	v7 =	vsel vm0, v5, v56;
	v5 =	vor.u32 $0x2, v4;
	[tilespmem:v13+s4+$0x0] =	vst.idx.msk $0xffff, v63  }
.LBB2_1:
0x52: {  	p0 =	sne.s32 s6, $0x70;
	[tilespmem:v3+s4+$0x0] =	vst.idx.msk $0xffff, v7;
	s7 =	smov.u32 s6;
	s6 =	sadd.s32 $0x10, s6  }
0x53: {  	v8 =	vor.u32 $0x3, v4;
	v11 =	vld.idx.msk [tilespmem:v4+s3+$0x0], $0xffff  }
0x54: {  	v12 =	vld.idx.msk [tilespmem:v6+s3+$0x0], $0xffff  }
0x55: {  	v7 =	vor.u32 $0x4, v4  }
0x56: {  	v13 =	vld.idx.msk [tilespmem:v5+s3+$0x0], $0xffff  }
0x57: {  	v9 =	vor.u32 $0x5, v4  }
0x58: {  	v14 =	vld.idx.msk [tilespmem:v8+s3+$0x0], $0xffff  }
0x59: {  	v10 =	vor.u32 $0x6, v4;
	vm0 =	vlt.f32 v11, $-Inf;
	vm1 =	vgt.f32 v11, $-Inf  }
0x5a: {  	vm3 =	vgt.f32 v12, v11;
	vm2 =	vmor vm1, vm0;
	v15 =	vld.idx.msk [tilespmem:v7+s3+$0x0], $0xffff  }
0x5b: {  	v3 =	vor.u32 $0x7, v4;
	v16 =	vsel vm3, v12, v11  }
0x5c: {  	vm0 =	vgt.f32 v13, v16;
	v17 =	vld.idx.msk [tilespmem:v9+s3+$0x0], $0xffff  }
0x5d: {  	v16 =	vsel vm0, v13, v16  }
0x5e: {  	vm1 =	vgt.f32 v14, v16;
	v18 =	vld.idx.msk [tilespmem:v10+s3+$0x0], $0xffff  }
0x5f: {  	v16 =	vsel vm1, v14, v16  }
0x60: {  	vm4 =	vgt.f32 v15, v16;
	v19 =	vld.idx.msk [tilespmem:v3+s3+$0x0], $0xffff  }
0x61: {  	v16 =	vsel vm4, v15, v16  }
0x62: {  	v20 =	vsel vm3, $0x1, v1;
	vm3 =	vgt.f32 v17, v16  }
0x63: {  	v20 =	vsel vm0, $0x2, v20;
	v16 =	vsel vm3, v17, v16  }
0x64: {  	v20 =	vsel vm1, $0x3, v20;
	vm1 =	vgt.f32 v18, v16  }
0x65: {  	v20 =	vsel vm4, $0x4, v20;
	v16 =	vsel vm1, v18, v16  }
0x66: {  	v20 =	vsel vm3, $0x5, v20;
	vm0 =	vgt.f32 v19, v16  }
0x67: {  	v20 =	vsel vm1, $0x6, v20;
	vm0 =	vmneg vm0  }
0x68: {  	v16 =	vsel vm0, v16, v19;
	v20 =	vnsel vm0, $0x7, v20  }
0x69: {  	vm3 =	vne.s32 v20, $0x0  }
0x6a: {  	vm2 =	vmand vm2, vm3  }
0x6b: {  	v11 =	vnsel vm2, $0xFF800000, v11  }
0x6c: {  	vm4 =	vne.s32 v20, $0x1;
	vm3 =	vgt.f32 v12, v11  }
0x6d: {  	vm3 =	vmand vm4, vm3  }
0x6e: {  	v11 =	vsel vm3, v12, v11  }
0x6f: {  	vm5 =	vne.s32 v20, $0x2;
	vm4 =	vgt.f32 v13, v11  }
0x70: {  	vm4 =	vmand vm5, vm4  }
0x71: {  	v12 =	vsel vm2, $0x0, v2;
	v11 =	vsel vm4, v13, v11  }
0x72: {  	v12 =	vsel vm3, $0x1, v12;
	vm3 =	vne.s32 v20, $0x3;
	vm2 =	vgt.f32 v14, v11  }
0x73: {  	v12 =	vsel vm4, $0x2, v12;
	vm2 =	vmand vm3, vm2  }
0x74: {  	v11 =	vsel vm2, v14, v11;
	v12 =	vsel vm2, $0x3, v12  }
0x75: {  	vm3 =	vne.s32 v20, $0x4;
	vm2 =	vgt.f32 v15, v11  }
0x76: {  	vm2 =	vmand vm3, vm2  }
0x77: {  	v11 =	vsel vm2, v15, v11;
	v12 =	vsel vm2, $0x4, v12  }
0x78: {  	vm3 =	vne.s32 v20, $0x5;
	vm2 =	vgt.f32 v17, v11  }
0x79: {  	vm2 =	vmand vm3, vm2  }
0x7a: {  	v11 =	vsel vm2, v17, v11;
	v12 =	vsel vm2, $0x5, v12  }
0x7b: {  	vm2 =	vgt.f32 v18, v11  }
0x7c: {  	vm1 =	vmand vm1, vm0;
	vm2 =	vmneg vm2  }
0x7d: {  	vm3 =	vmor vm1, vm2  }
0x7e: {  	v11 =	vsel vm3, v11, v18;
	v12 =	vnsel vm3, $0x6, v12  }
0x7f: {  	vm2 =	vgt.f32 v19, v11  }
0x80: {  	vm2 =	vmand vm0, vm2  }
0x81: {  	v11 =	vsel vm2, v19, v11;
	v12 =	vsel vm2, $0x7, v12;
	vm3 =	vmor vm2, vm3  }
0x82: {  	v11 =	vsub.f32 v11, v16;
	_ =	sdelay $0x1  }
0x83: {  	v11 =	vmul.f32 $1.442695020e+00, v11;
	_ =	sdelay $0x1  }
0x84: {  	(erf) = vpow2.f32 v11;
	_ =	sdelay $0x8  }
0x85: {  	v11 =	vpop (erf)  }
0x86: {  	v13 =	vadd.f32 $1.000000000e+00, v11;
	_ =	sdelay $0x1  }
0x87: {  	(erf) = vrcp.f32 v13;
	_ =	sdelay $0x6  }
0x88: {  	vm4 =	veq.s32 v20, $0x5  }
0x89: {  	vm6 =	veq.s32 v20, $0x3;
	vm7 =	veq.s32 v20, $0x4;
	vm5 =	veq.s32 v20, $0x2  }
0x8a: {  	vm8 =	veq.s32 v20, $0x0;
	vm9 =	veq.s32 v20, $0x1;
	vm10 =	veq.s32 v12, $0x5;
	v13 =	vpop (erf)  }
0x8b: {  	vm11 =	veq.s32 v12, $0x3;
	vm12 =	veq.s32 v12, $0x4;
	v11 =	vmul.f32 v13, v11  }
0x8c: {  	vm13 =	veq.s32 v12, $0x0;
	vm14 =	veq.s32 v12, $0x1;
	vm15 =	veq.s32 v12, $0x2  }
0x8d: {  	v12 =	vnsel vm13, $0x0, v11;
	v14 =	vnsel vm14, $0x0, v11;
	v15 =	vnsel vm15, $0x0, v11  }
0x8e: {  	v12 =	vsel vm8, v13, v12;
	v14 =	vsel vm9, v13, v14;
	v15 =	vsel vm5, v13, v15  }
0x8f: {  	v16 =	vnsel vm10, $0x0, v11;
	[tilespmem:v4+s4+$0x0] =	vst.idx.msk $0xffff, v12;
	v4 =	vnsel vm11, $0x0, v11;
	v12 =	vnsel vm12, $0x0, v11  }
0x90: {  	v17 =	vmov s7;
	[tilespmem:v6+s4+$0x0] =	vst.idx.msk $0xffff, v14;
	v6 =	vsel vm6, v13, v4;
	v12 =	vsel vm7, v13, v12  }
.Ltmp0:
0x91: {  	v4 =	vshll.u32 v17, $0x7;
	v14 =	vsel vm3, $0x0, v11;
	[tilespmem:v5+s4+$0x0] =	vst.idx.msk $0xffff, v15;
	v5 =	vsel vm4, v13, v16;
	(pc) =	sbr.rel @p0 .LBB2_1-.Ltmp0, $4  }
0x92: {  	v11 =	vnsel vm2, $0x0, v11;
	v4 =	vor.u32 v0, v4;
	[tilespmem:v8+s4+$0x0] =	vst.idx.msk $0xffff, v6;
	v8 =	vsel vm1, v13, v14  }
0x93: {  	v6 =	vor.u32 $0x1, v4;
	[tilespmem:v7+s4+$0x0] =	vst.idx.msk $0xffff, v12;
	v7 =	vsel vm0, v11, v13  }
0x94: {  	[tilespmem:v9+s4+$0x0] =	vst.idx.msk $0xffff, v5  }
0x95: {  	v5 =	vor.u32 $0x2, v4;
	[tilespmem:v10+s4+$0x0] =	vst.idx.msk $0xffff, v8  }
0x96: {  	_ =	sdelay $0x3  }
0x97: {  	[tilespmem:v3+s4+$0x0] =	vst.idx.msk $0xffff, v7  }
0x98: {  	v51 =	vor.u32 $0x3, v4;
	v0 =	vld.idx.msk [tilespmem:v4+s3+$0x0], $0xffff  }
0x99: {  	v7 =	vld.idx.msk [tilespmem:v6+s3+$0x0], $0xffff  }
0x9a: {  	v8 =	vor.u32 $0x4, v4  }
0x9b: {  	v9 =	vld.idx.msk [tilespmem:v5+s3+$0x0], $0xffff  }
0x9c: {  	v10 =	vor.u32 $0x5, v4  }
0x9d: {  	v11 =	vld.idx.msk [tilespmem:v51+s3+$0x0], $0xffff  }
0x9e: {  	v12 =	vor.u32 $0x6, v4;
	vm0 =	vgt.f32 v7, v0  }
0x9f: {  	v13 =	vld.idx.msk [tilespmem:v8+s3+$0x0], $0xffff;
	v14 =	vsel vm0, v7, v0  }
0xa0: {  	v15 =	vor.u32 $0x7, v4;
	vm1 =	vgt.f32 v9, v14  }
0xa1: {  	v16 =	vld.idx.msk [tilespmem:v10+s3+$0x0], $0xffff;
	v14 =	vsel vm1, v9, v14  }
0xa2: {  	vm2 =	vgt.f32 v11, v14  }
0xa3: {  	v17 =	vld.idx.msk [tilespmem:v12+s3+$0x0], $0xffff;
	v14 =	vsel vm2, v11, v14  }
0xa4: {  	vm3 =	vgt.f32 v13, v14  }
0xa5: {  	v18 =	vld.idx.msk [tilespmem:v15+s3+$0x0], $0xffff;
	v14 =	vsel vm3, v13, v14  }
0xa6: {  	v1 =	vsel vm0, $0x1, v1;
	vm6 =	vgt.f32 v16, v14  }
0xa7: {  	v1 =	vsel vm1, $0x2, v1;
	v14 =	vsel vm6, v16, v14  }
0xa8: {  	v1 =	vsel vm2, $0x3, v1;
	vm1 =	vgt.f32 v17, v14  }
0xa9: {  	v1 =	vsel vm3, $0x4, v1;
	v14 =	vsel vm1, v17, v14  }
0xaa: {  	v1 =	vsel vm6, $0x5, v1;
	vm7 =	vgt.f32 v18, v14  }
0xab: {  	v1 =	vsel vm1, $0x6, v1;
	vm0 =	vmneg vm7  }
0xac: {  	vm8 =	vlt.f32 v0, $-Inf;
	vm9 =	vgt.f32 v0, $-Inf;
	v1 =	vnsel vm0, $0x7, v1  }
0xad: {  	vm2 =	vmor vm9, vm8;
	vm10 =	vne.s32 v1, $0x0  }
0xae: {  	vm3 =	vmand vm2, vm10  }
0xaf: {  	v0 =	vnsel vm3, $0xFF800000, v0  }
0xb0: {  	vm4 =	vne.s32 v1, $0x1;
	vm11 =	vgt.f32 v7, v0  }
0xb1: {  	vm4 =	vmand vm4, vm11  }
0xb2: {  	v0 =	vsel vm4, v7, v0  }
0xb3: {  	vm5 =	vne.s32 v1, $0x2;
	vm12 =	vgt.f32 v9, v0  }
0xb4: {  	vm5 =	vmand vm5, vm12  }
0xb5: {  	v0 =	vsel vm5, v9, v0  }
0xb6: {  	vm6 =	vne.s32 v1, $0x3;
	vm13 =	vgt.f32 v11, v0  }
0xb7: {  	vm6 =	vmand vm6, vm13  }
0xb8: {  	v0 =	vsel vm6, v11, v0  }
0xb9: {  	vm7 =	vne.s32 v1, $0x4;
	vm14 =	vgt.f32 v13, v0  }
0xba: {  	vm7 =	vmand vm7, vm14  }
0xbb: {  	v0 =	vsel vm7, v13, v0  }
0xbc: {  	vm8 =	vne.s32 v1, $0x5;
	vm15 =	vgt.f32 v16, v0  }
0xbd: {  	vm8 =	vmand vm8, vm15  }
0xbe: {  	v0 =	vsel vm8, v16, v0  }
0xbf: {  	vm10 =	vgt.f32 v17, v0  }
0xc0: {  	vm1 =	vmand vm1, vm0;
	vm2 =	vmneg vm10  }
0xc1: {  	vm9 =	vmor vm1, vm2  }
0xc2: {  	v0 =	vsel vm9, v0, v17  }
0xc3: {  	vm11 =	vgt.f32 v18, v0  }
0xc4: {  	vm2 =	vmand vm0, vm11  }
0xc5: {  	v52 =	vsel vm0, v14, v18;
	v0 =	vsel vm2, v18, v0  }
0xc6: {  	v0 =	vsub.f32 v0, v52;
	_ =	sdelay $0x1  }
0xc7: {  	v0 =	vmul.f32 $1.442695020e+00, v0;
	_ =	sdelay $0x1  }
0xc8: {  	(erf) = vpow2.f32 v0;
	_ =	sdelay $0x8  }
0xc9: {  	v0 =	vpop (erf)  }
0xca: {  	v53 =	vadd.f32 $1.000000000e+00, v0;
	_ =	sdelay $0x1  }
0xcb: {  	(erf) = vrcp.f32 v53;
	_ =	sdelay $0x2  }
0xcc: {  	v2 =	vsel vm3, $0x0, v2  }
0xcd: {  	v2 =	vsel vm4, $0x1, v2  }
0xce: {  	v2 =	vsel vm5, $0x2, v2  }
0xcf: {  	v2 =	vsel vm6, $0x3, v2  }
0xd0: {  	v2 =	vsel vm7, $0x4, v2  }
0xd1: {  	v2 =	vsel vm8, $0x5, v2  }
0xd2: {  	vm4 =	veq.s32 v1, $0x2;
	vm12 =	veq.s32 v1, $0x0;
	v2 =	vnsel vm9, $0x6, v2;
	v7 =	vpop (erf)  }
0xd3: {  	vm5 =	veq.s32 v1, $0x3;
	v2 =	vsel vm2, $0x7, v2;
	v0 =	vmul.f32 v7, v0  }
0xd4: {  	vm6 =	veq.s32 v1, $0x4;
	vm14 =	veq.s32 v1, $0x1;
	vm13 =	veq.s32 v2, $0x0  }
0xd5: {  	vm3 =	vmor vm2, vm9;
	vm10 =	veq.s32 v2, $0x1;
	v54 =	vnsel vm13, $0x0, v0  }
0xd6: {  	vm15 =	veq.s32 v2, $0x2;
	v55 =	vnsel vm10, $0x0, v0;
	v9 =	vsel vm12, v7, v54  }
0xd7: {  	v56 =	vnsel vm15, $0x0, v0;
	vm12 =	veq.s32 v2, $0x3;
	v11 =	vsel vm14, v7, v55;
	[tilespmem:v4+s4+$0x0] =	vst.idx.msk $0xffff, v9  }
0xd8: {  	vm13 =	veq.s32 v2, $0x4;
	v57 =	vsel vm4, v7, v56;
	v58 =	vnsel vm12, $0x0, v0;
	[tilespmem:v6+s4+$0x0] =	vst.idx.msk $0xffff, v11  }
0xd9: {  	vm14 =	veq.s32 v2, $0x5;
	v59 =	vnsel vm13, $0x0, v0;
	v60 =	vsel vm5, v7, v58;
	[tilespmem:v5+s4+$0x0] =	vst.idx.msk $0xffff, v57  }
0xda: {  	vm15 =	veq.s32 v1, $0x5;
	v61 =	vnsel vm14, $0x0, v0;
	v2 =	vsel vm6, v7, v59;
	[tilespmem:v51+s4+$0x0] =	vst.idx.msk $0xffff, v60  }
0xdb: {  	v62 =	vsel vm3, $0x0, v0;
	v1 =	vsel vm15, v7, v61;
	[tilespmem:v8+s4+$0x0] =	vst.idx.msk $0xffff, v2  }
0xdc: {  	v63 =	vsel vm1, v7, v62;
	v0 =	vnsel vm2, $0x0, v0;
	[tilespmem:v10+s4+$0x0] =	vst.idx.msk $0xffff, v1  }
0xdd: {  	s2 =	sadd.s32 s5, s2;
	v0 =	vsel vm0, v0, v7;
	[tilespmem:v12+s4+$0x0] =	vst.idx.msk $0xffff, v63  }
0xde: {  	s29 =	simm.s32 $0x0;
	s30 =	simm.s32 $0x4000;
	s31 =	simm.s32 $0x1;
	[tilespmem:v15+s4+$0x0] =	vst.idx.msk $0xffff, v0  }
0xdf: {  	[hbm4b:s2+s29] =	stream.linear.scatter [tilespmem:s30], [sflag:$0x1], $0x4000, $0x38;
	[tilespmem:$0x8000] =	vst v63  }
0xe0: {  	_ =	swait.ge [sflag:s31], $0x4000  }
0xe1: {  	[sflag:s31] =	ssyncset.done $0x0  }
0xe2: {  	[sflag:s31] =	ssyncadd.s32 $0xFFFFC000  }
0xe3: {  	_ =	sfence.sel $0x180000  }
0xe4: {  	[bflag:$0x0] =	sbarrier.arrive $0xFFFF  }
0xe5: {  	p0 =	sne.s32 s1, $0x0;
	_ =	strace $0x90000047  }
0xe6: {  	s0 =	sadd.s32 @!p0 $0x100000, s0;
	[bflag:$0x2] =	sbarrier.arrive $0xFFFF  }
0xe7: {  	[sflag:s0] =	ssyncadd.tile.s32 @!p0 $0x1;
	_ =	shalt  }
.Lfunc_end2:
_tile_overlayer_lowered:
.L_overlay_start_2:
0xe8: {  	(tag) =	ssettag $0x2  }
0xe9: {  	s0 =	rddreg [dreg:$0x0];
	s2 =	stileid.u32  }
0xea: {  	s1 =	rddreg [dreg:$0x1];
	p0 =	sne.s32 s2, $0x0  }
0xeb: {  	s3 =	rddreg [dreg:$0x2];
	[bflag:$0x3] =	sbarrier.arrive $0xFFFF;
	s2 =	simm.s32 @!p0 $0x1C01  }
0xec: {  	[timem:s3], [sflag:s2] =	dma.local @!p0 [hbm:s0], s1  }
0xed: {  	s0 =	simm.s32 @!p0 $0x1  }
0xee: {  	_ =	swait.ge @!p0 [sflag:s0], s1  }
0xef: {  	s1 =	ssub.s32 @!p0 $0x0, s1;
	[sflag:s0] =	ssyncset.done @!p0 $0x0  }
0xf0: {  	[sflag:s0] =	ssyncadd.s32 @!p0 s1  }
0xf1: {  	[bflag:$0x3] =	sbarrier.arrive $0xFFFF  }
0xf2: {  	_ =	shalt  }

</sc_bundles>
